<compile_context>
chip_gen: v7x
topology: tpu7x:2x2x1
jax: 0.10.2.dev20260603
libtpu: 0.0.44.dev20260713+nightly
codegen_flags: <defaults>
</compile_context>

<pallas_src>
import functools

import numpy as np
import jax
import jax.numpy as jnp
from jax import lax
from jax.experimental import pallas as pl
from jax.experimental.pallas import tpu as pltpu, tpu_sc as plsc

_SIZE, _PATCH = 384, 16
_NUM = _SIZE // _PATCH
_P = _NUM * _NUM
_C = 32
_D = 768
_K = 8


def _static_indices():
    grid = np.arange(_P, dtype=np.int32).reshape(_NUM, _NUM)
    idx, inv = [], []
    for k in range(4):
        rot = np.rot90(grid, k=k, axes=(0, 1))
        for g in (rot, np.flip(rot, axis=1)):
            flat = g.flatten()
            idx.append(flat)
            inv.append(np.argsort(flat).astype(np.int32))
    return np.stack(idx), np.stack(inv)


_IDX, _ARGSORT = _static_indices()

_B = _K * _C * _P
_NC, _NS = 2, 16
_NW = _NC * _NS
_Q = 96
_NQ = _P // _Q

_SIDX = (np.arange(_NW, dtype=np.int32)[:, None, None, None] * _P
         + np.arange(_K, dtype=np.int32)[None, None, :, None] * (_C * _P)
         + _ARGSORT.reshape(1, _K, _NQ, _Q).transpose(0, 2, 1, 3)
         ).reshape(_NW, _NQ * _K, _Q).astype(np.int32)


def _sc_augment(table, sidx):
    mesh = plsc.VectorSubcoreMesh(core_axis_name="c", subcore_axis_name="s")

    @functools.partial(
        pl.kernel,
        mesh=mesh,
        out_type=jax.ShapeDtypeStruct((_B, _D), jnp.float32),
        scratch_types=[
            pltpu.VMEM((_NQ * _K, _Q), jnp.int32),
            pltpu.VMEM((_Q, _D), jnp.float32),
            pltpu.SemaphoreType.DMA,
        ],
    )
    def aug_kernel(table_hbm, sidx_hbm, out_hbm, sidx_v, buf, ssem):
        wid = lax.axis_index("s") * _NC + lax.axis_index("c")
        pltpu.sync_copy(sidx_hbm.at[wid], sidx_v)
        in_base = wid * _P

        def drain_one():
            pltpu.make_async_copy(table_hbm.at[pl.ds(0, _Q)], buf, ssem).wait()

        def chunk_body(q, carry):
            @pl.when(q > 0)
            def _():
                for _ in range(_K):
                    drain_one()
            pltpu.sync_copy(table_hbm.at[pl.ds(in_base + q * _Q, _Q)], buf)
            pltpu.make_async_copy(
                buf, out_hbm.at[pl.ds(in_base + q * _Q, _Q)], ssem
            ).start()
            for kk in range(1, _K):
                pltpu.make_async_copy(
                    buf, out_hbm.at[sidx_v.at[q * _K + kk]], ssem
                ).start()
            return carry

        lax.fori_loop(0, _NQ, chunk_body, 0)
        for _ in range(_K):
            drain_one()

    return aug_kernel(table, sidx)


def kernel(patch):
    table = patch.reshape(_C * _P, _D)
    out = _sc_augment(table, jnp.asarray(_SIDX))
    aug_tensor = out.reshape(_K, _C, _P, _D)
    argsort_tensor = jnp.asarray(_ARGSORT)
    perm = jnp.arange(_K, dtype=jnp.int32)
    return aug_tensor, argsort_tensor, perm

# --- scband reference (transcript-rebuilt; emitter-appended) ---
"""Pipeline reference for scband-patch-augmentations-5222680232122 (READ-ONLY COPY).

The authoritative reference and input builder live on the scoring server;
editing this copy changes nothing except your own understanding.
"""

import jax, jax.numpy as jnp
import numpy as np

SIZE = 384
PATCH = 16
NUM = SIZE // PATCH  # 24
C = 32
D = 768


def setup_inputs(seed: int = 0) -> dict:
    key = jax.random.key(seed)
    patch = jax.random.normal(key, (C, NUM * NUM, D), dtype=jnp.float32)
    return {"patch": patch}


def reference(patch):
    # grid buffer derived from init kwargs (size=384, patch_size=16)
    grid = jnp.arange(NUM * NUM, dtype=jnp.int32).reshape(NUM, NUM)
    aug_list = []
    argsort_list = []
    for k in range(4):
        rotated_grid = jnp.rot90(grid, k=k, axes=(0, 1))
        flat_idx = rotated_grid.flatten()
        aug_list.append(jnp.take(patch, flat_idx, axis=1))
        argsort_list.append(jnp.argsort(flat_idx))
        flipped_grid = jnp.flip(rotated_grid, axis=1)  # horizontal flip
        flat_flipped_idx = flipped_grid.flatten()
        aug_list.append(jnp.take(patch, flat_flipped_idx, axis=1))
        argsort_list.append(jnp.argsort(flat_flipped_idx))
    aug_tensor = jnp.stack(aug_list, axis=0)
    argsort_tensor = jnp.stack(argsort_list, axis=0)
    # is_validation=True -> identity permutation (deterministic)
    perm = jnp.arange(8, dtype=jnp.int32)
    return aug_tensor, argsort_tensor, perm

if __name__ == "__main__":
    import jax
    _d = setup_inputs()
    print(jax.jit(kernel)(*tuple(_d.values())))

</pallas_src>

<mosaic_0001>
#map = affine_map<(d0, d1) -> (0, 0)>
#map1 = affine_map<(d0, d1) -> (0, 0, 0)>
module attributes {stable_mosaic.version = 14 : i64} {
  func.func @aug_kernel(%arg0: i32, %arg1: i32, %arg2: memref<18432x768xf32, #tpu.memory_space<hbm>>, %arg3: memref<32x48x96xi32, #tpu.memory_space<hbm>>, %arg4: memref<147456x768xf32, #tpu.memory_space<hbm>>, %arg5: memref<48x96xi32, #tpu.memory_space<vmem>>, %arg6: memref<96x768xf32, #tpu.memory_space<vmem>>, %arg7: memref<!tpu.dma_semaphore, #tpu.memory_space<semaphore_mem>>) attributes {dimension_semantics = [#tpu.dimension_semantics<core_parallel>, #tpu.dimension_semantics<subcore_parallel>], iteration_bounds = array<i64: 2, 16>, scalar_prefetch = 0 : i64, scratch_operands = 3 : i64, tpu.core_type = #tpu.core_type<sc_vector_subcore>, window_params = [{transform_indices = #map}, {transform_indices = #map1}, {transform_indices = #map}]} {
    %mul3A = arith.constant 2 : i32
    %mul3A_0 = arith.muli %arg1, %mul3A : i32
    %add3A = arith.addi %mul3A_0, %arg0 : i32
    "tpu.region"() ({
      %run_scoped3A = tpu.sem_alloc : memref<!tpu.dma_semaphore, #tpu.memory_space<semaphore_mem>>
      %dma_start3A = arith.constant 0 : i32
      %dma_start3A_55 = arith.constant 0 : i32
      %dma_start3A_56 = tpu.memref_slice %arg3[%add3A, %dma_start3A, %dma_start3A_55] : memref<32x48x96xi32, #tpu.memory_space<hbm>> -> memref<1x48x96xi32, #tpu.memory_space<hbm>>
      %dma_start3A_57 = tpu.memref_squeeze %dma_start3A_56 : memref<1x48x96xi32, #tpu.memory_space<hbm>> -> memref<48x96xi32, #tpu.memory_space<hbm>>
      %dma_start3A_58 = arith.constant 0 : i32
      %dma_start3A_59 = arith.constant 0 : i32
      %dma_start3A_60 = tpu.memref_slice %arg3[%add3A, %dma_start3A_58, %dma_start3A_59] : memref<32x48x96xi32, #tpu.memory_space<hbm>> -> memref<1x48x96xi32, #tpu.memory_space<hbm>>
      %dma_start3A_61 = tpu.memref_squeeze %dma_start3A_60 : memref<1x48x96xi32, #tpu.memory_space<hbm>> -> memref<48x96xi32, #tpu.memory_space<hbm>>
      tpu.enqueue_dma source(%dma_start3A_61 : memref<48x96xi32, #tpu.memory_space<hbm>>) target(%arg5 : memref<48x96xi32, #tpu.memory_space<vmem>>) target_semaphore(%run_scoped3A : memref<!tpu.dma_semaphore, #tpu.memory_space<semaphore_mem>>)
      %dma_wait3A_62 = arith.constant 0 : i32
      %dma_wait3A_63 = arith.constant 0 : i32
      %dma_wait3A_64 = tpu.memref_slice %arg3[%add3A, %dma_wait3A_62, %dma_wait3A_63] : memref<32x48x96xi32, #tpu.memory_space<hbm>> -> memref<1x48x96xi32, #tpu.memory_space<hbm>>
      %dma_wait3A_65 = tpu.memref_squeeze %dma_wait3A_64 : memref<1x48x96xi32, #tpu.memory_space<hbm>> -> memref<48x96xi32, #tpu.memory_space<hbm>>
      %dma_wait3A_66 = arith.constant 0 : i32
      %dma_wait3A_67 = arith.constant 0 : i32
      %dma_wait3A_68 = tpu.memref_slice %arg3[%add3A, %dma_wait3A_66, %dma_wait3A_67] : memref<32x48x96xi32, #tpu.memory_space<hbm>> -> memref<1x48x96xi32, #tpu.memory_space<hbm>>
      %dma_wait3A_69 = tpu.memref_squeeze %dma_wait3A_68 : memref<1x48x96xi32, #tpu.memory_space<hbm>> -> memref<48x96xi32, #tpu.memory_space<hbm>>
      tpu.wait_dma2 semaphore(%run_scoped3A : memref<!tpu.dma_semaphore, #tpu.memory_space<semaphore_mem>>) src(%dma_wait3A_69 : memref<48x96xi32, #tpu.memory_space<hbm>>) dst(%arg5 : memref<48x96xi32, #tpu.memory_space<vmem>>)
      tpu.yield
    }) : () -> ()
    %mul3A_1 = arith.constant 576 : i32
    %mul3A_2 = arith.muli %add3A, %mul3A_1 : i32
    %scan3A = arith.constant 0 : i32
    %scan3A_3 = arith.constant 0 : i32
    %scan3A_4 = arith.constant 6 : i32
    %scan3A_5 = arith.addi %scan3A_3, %scan3A_4 : i32
    %scan3A_6 = arith.constant 1 : i32
    scf.for %scan3A_55 = %scan3A_3 to %scan3A_5 step %scan3A_6  : i32 {
      %gt3A = arith.constant 0 : i32
      %gt3A_56 = arith.cmpi sgt, %scan3A_55, %gt3A : i32
      %convert_element_type3A = arith.extui %gt3A_56 : i1 to i32
      %cond3A = arith.constant 0 : i32
      %cond3A_57 = arith.cmpi ne, %convert_element_type3A, %cond3A : i32
      scf.if %cond3A_57 {
        %dma_wait3A_137 = arith.constant 0 : i32
        %dma_wait3A_138 = arith.constant 0 : i32
        %dma_wait3A_139 = tpu.memref_slice %arg2[%dma_wait3A_137, %dma_wait3A_138] : memref<18432x768xf32, #tpu.memory_space<hbm>> -> memref<96x768xf32, #tpu.memory_space<hbm>>
        %dma_wait3A_140 = arith.constant 0 : i32
        %dma_wait3A_141 = arith.constant 0 : i32
        %dma_wait3A_142 = tpu.memref_slice %arg2[%dma_wait3A_140, %dma_wait3A_141] : memref<18432x768xf32, #tpu.memory_space<hbm>> -> memref<96x768xf32, #tpu.memory_space<hbm>>
        tpu.wait_dma2 semaphore(%arg7 : memref<!tpu.dma_semaphore, #tpu.memory_space<semaphore_mem>>) src(%dma_wait3A_142 : memref<96x768xf32, #tpu.memory_space<hbm>>) dst(%arg6 : memref<96x768xf32, #tpu.memory_space<vmem>>)
        %dma_wait3A_143 = arith.constant 0 : i32
        %dma_wait3A_144 = arith.constant 0 : i32
        %dma_wait3A_145 = tpu.memref_slice %arg2[%dma_wait3A_143, %dma_wait3A_144] : memref<18432x768xf32, #tpu.memory_space<hbm>> -> memref<96x768xf32, #tpu.memory_space<hbm>>
        %dma_wait3A_146 = arith.constant 0 : i32
        %dma_wait3A_147 = arith.constant 0 : i32
        %dma_wait3A_148 = tpu.memref_slice %arg2[%dma_wait3A_146, %dma_wait3A_147] : memref<18432x768xf32, #tpu.memory_space<hbm>> -> memref<96x768xf32, #tpu.memory_space<hbm>>
        tpu.wait_dma2 semaphore(%arg7 : memref<!tpu.dma_semaphore, #tpu.memory_space<semaphore_mem>>) src(%dma_wait3A_148 : memref<96x768xf32, #tpu.memory_space<hbm>>) dst(%arg6 : memref<96x768xf32, #tpu.memory_space<vmem>>)
        %dma_wait3A_149 = arith.constant 0 : i32
        %dma_wait3A_150 = arith.constant 0 : i32
        %dma_wait3A_151 = tpu.memref_slice %arg2[%dma_wait3A_149, %dma_wait3A_150] : memref<18432x768xf32, #tpu.memory_space<hbm>> -> memref<96x768xf32, #tpu.memory_space<hbm>>
        %dma_wait3A_152 = arith.constant 0 : i32
        %dma_wait3A_153 = arith.constant 0 : i32
        %dma_wait3A_154 = tpu.memref_slice %arg2[%dma_wait3A_152, %dma_wait3A_153] : memref<18432x768xf32, #tpu.memory_space<hbm>> -> memref<96x768xf32, #tpu.memory_space<hbm>>
        tpu.wait_dma2 semaphore(%arg7 : memref<!tpu.dma_semaphore, #tpu.memory_space<semaphore_mem>>) src(%dma_wait3A_154 : memref<96x768xf32, #tpu.memory_space<hbm>>) dst(%arg6 : memref<96x768xf32, #tpu.memory_space<vmem>>)
        %dma_wait3A_155 = arith.constant 0 : i32
        %dma_wait3A_156 = arith.constant 0 : i32
        %dma_wait3A_157 = tpu.memref_slice %arg2[%dma_wait3A_155, %dma_wait3A_156] : memref<18432x768xf32, #tpu.memory_space<hbm>> -> memref<96x768xf32, #tpu.memory_space<hbm>>
        %dma_wait3A_158 = arith.constant 0 : i32
        %dma_wait3A_159 = arith.constant 0 : i32
        %dma_wait3A_160 = tpu.memref_slice %arg2[%dma_wait3A_158, %dma_wait3A_159] : memref<18432x768xf32, #tpu.memory_space<hbm>> -> memref<96x768xf32, #tpu.memory_space<hbm>>
        tpu.wait_dma2 semaphore(%arg7 : memref<!tpu.dma_semaphore, #tpu.memory_space<semaphore_mem>>) src(%dma_wait3A_160 : memref<96x768xf32, #tpu.memory_space<hbm>>) dst(%arg6 : memref<96x768xf32, #tpu.memory_space<vmem>>)
        %dma_wait3A_161 = arith.constant 0 : i32
        %dma_wait3A_162 = arith.constant 0 : i32
        %dma_wait3A_163 = tpu.memref_slice %arg2[%dma_wait3A_161, %dma_wait3A_162] : memref<18432x768xf32, #tpu.memory_space<hbm>> -> memref<96x768xf32, #tpu.memory_space<hbm>>
        %dma_wait3A_164 = arith.constant 0 : i32
        %dma_wait3A_165 = arith.constant 0 : i32
        %dma_wait3A_166 = tpu.memref_slice %arg2[%dma_wait3A_164, %dma_wait3A_165] : memref<18432x768xf32, #tpu.memory_space<hbm>> -> memref<96x768xf32, #tpu.memory_space<hbm>>
        tpu.wait_dma2 semaphore(%arg7 : memref<!tpu.dma_semaphore, #tpu.memory_space<semaphore_mem>>) src(%dma_wait3A_166 : memref<96x768xf32, #tpu.memory_space<hbm>>) dst(%arg6 : memref<96x768xf32, #tpu.memory_space<vmem>>)
        %dma_wait3A_167 = arith.constant 0 : i32
        %dma_wait3A_168 = arith.constant 0 : i32
        %dma_wait3A_169 = tpu.memref_slice %arg2[%dma_wait3A_167, %dma_wait3A_168] : memref<18432x768xf32, #tpu.memory_space<hbm>> -> memref<96x768xf32, #tpu.memory_space<hbm>>
        %dma_wait3A_170 = arith.constant 0 : i32
        %dma_wait3A_171 = arith.constant 0 : i32
        %dma_wait3A_172 = tpu.memref_slice %arg2[%dma_wait3A_170, %dma_wait3A_171] : memref<18432x768xf32, #tpu.memory_space<hbm>> -> memref<96x768xf32, #tpu.memory_space<hbm>>
        tpu.wait_dma2 semaphore(%arg7 : memref<!tpu.dma_semaphore, #tpu.memory_space<semaphore_mem>>) src(%dma_wait3A_172 : memref<96x768xf32, #tpu.memory_space<hbm>>) dst(%arg6 : memref<96x768xf32, #tpu.memory_space<vmem>>)
        %dma_wait3A_173 = arith.constant 0 : i32
        %dma_wait3A_174 = arith.constant 0 : i32
        %dma_wait3A_175 = tpu.memref_slice %arg2[%dma_wait3A_173, %dma_wait3A_174] : memref<18432x768xf32, #tpu.memory_space<hbm>> -> memref<96x768xf32, #tpu.memory_space<hbm>>
        %dma_wait3A_176 = arith.constant 0 : i32
        %dma_wait3A_177 = arith.constant 0 : i32
        %dma_wait3A_178 = tpu.memref_slice %arg2[%dma_wait3A_176, %dma_wait3A_177] : memref<18432x768xf32, #tpu.memory_space<hbm>> -> memref<96x768xf32, #tpu.memory_space<hbm>>
        tpu.wait_dma2 semaphore(%arg7 : memref<!tpu.dma_semaphore, #tpu.memory_space<semaphore_mem>>) src(%dma_wait3A_178 : memref<96x768xf32, #tpu.memory_space<hbm>>) dst(%arg6 : memref<96x768xf32, #tpu.memory_space<vmem>>)
        %dma_wait3A_179 = arith.constant 0 : i32
        %dma_wait3A_180 = arith.constant 0 : i32
        %dma_wait3A_181 = tpu.memref_slice %arg2[%dma_wait3A_179, %dma_wait3A_180] : memref<18432x768xf32, #tpu.memory_space<hbm>> -> memref<96x768xf32, #tpu.memory_space<hbm>>
        %dma_wait3A_182 = arith.constant 0 : i32
        %dma_wait3A_183 = arith.constant 0 : i32
        %dma_wait3A_184 = tpu.memref_slice %arg2[%dma_wait3A_182, %dma_wait3A_183] : memref<18432x768xf32, #tpu.memory_space<hbm>> -> memref<96x768xf32, #tpu.memory_space<hbm>>
        tpu.wait_dma2 semaphore(%arg7 : memref<!tpu.dma_semaphore, #tpu.memory_space<semaphore_mem>>) src(%dma_wait3A_184 : memref<96x768xf32, #tpu.memory_space<hbm>>) dst(%arg6 : memref<96x768xf32, #tpu.memory_space<vmem>>)
      } else {
      }
      %mul3A_58 = arith.constant 96 : i32
      %mul3A_59 = arith.muli %scan3A_55, %mul3A_58 : i32
      %add3A_60 = arith.addi %mul3A_2, %mul3A_59 : i32
      "tpu.region"() ({
        %run_scoped3A = tpu.sem_alloc : memref<!tpu.dma_semaphore, #tpu.memory_space<semaphore_mem>>
        %dma_start3A_137 = arith.constant 0 : i32
        %dma_start3A_138 = tpu.memref_slice %arg2[%add3A_60, %dma_start3A_137] : memref<18432x768xf32, #tpu.memory_space<hbm>> -> memref<96x768xf32, #tpu.memory_space<hbm>>
        %dma_start3A_139 = arith.constant 0 : i32
        %dma_start3A_140 = tpu.memref_slice %arg2[%add3A_60, %dma_start3A_139] : memref<18432x768xf32, #tpu.memory_space<hbm>> -> memref<96x768xf32, #tpu.memory_space<hbm>>
        tpu.enqueue_dma source(%dma_start3A_140 : memref<96x768xf32, #tpu.memory_space<hbm>>) target(%arg6 : memref<96x768xf32, #tpu.memory_space<vmem>>) target_semaphore(%run_scoped3A : memref<!tpu.dma_semaphore, #tpu.memory_space<semaphore_mem>>)
        %dma_wait3A_141 = arith.constant 0 : i32
        %dma_wait3A_142 = tpu.memref_slice %arg2[%add3A_60, %dma_wait3A_141] : memref<18432x768xf32, #tpu.memory_space<hbm>> -> memref<96x768xf32, #tpu.memory_space<hbm>>
        %dma_wait3A_143 = arith.constant 0 : i32
        %dma_wait3A_144 = tpu.memref_slice %arg2[%add3A_60, %dma_wait3A_143] : memref<18432x768xf32, #tpu.memory_space<hbm>> -> memref<96x768xf32, #tpu.memory_space<hbm>>
        tpu.wait_dma2 semaphore(%run_scoped3A : memref<!tpu.dma_semaphore, #tpu.memory_space<semaphore_mem>>) src(%dma_wait3A_144 : memref<96x768xf32, #tpu.memory_space<hbm>>) dst(%arg6 : memref<96x768xf32, #tpu.memory_space<vmem>>)
        tpu.yield
      }) : () -> ()
      %mul3A_61 = arith.constant 96 : i32
      %mul3A_62 = arith.muli %scan3A_55, %mul3A_61 : i32
      %add3A_63 = arith.addi %mul3A_2, %mul3A_62 : i32
      %dma_start3A = arith.constant 0 : i32
      %dma_start3A_64 = tpu.memref_slice %arg4[%add3A_63, %dma_start3A] : memref<147456x768xf32, #tpu.memory_space<hbm>> -> memref<96x768xf32, #tpu.memory_space<hbm>>
      %dma_start3A_65 = arith.constant 0 : i32
      %dma_start3A_66 = tpu.memref_slice %arg4[%add3A_63, %dma_start3A_65] : memref<147456x768xf32, #tpu.memory_space<hbm>> -> memref<96x768xf32, #tpu.memory_space<hbm>>
      tpu.enqueue_dma source(%arg6 : memref<96x768xf32, #tpu.memory_space<vmem>>) target(%dma_start3A_66 : memref<96x768xf32, #tpu.memory_space<hbm>>) target_semaphore(%arg7 : memref<!tpu.dma_semaphore, #tpu.memory_space<semaphore_mem>>)
      %mul3A_67 = arith.constant 8 : i32
      %mul3A_68 = arith.muli %scan3A_55, %mul3A_67 : i32
      %add3A_69 = arith.constant 1 : i32
      %add3A_70 = arith.addi %mul3A_68, %add3A_69 : i32
      %dma_start3A_71 = arith.constant 0 : i32
      %dma_start3A_72 = tpu.memref_slice %arg5[%add3A_70, %dma_start3A_71] : memref<48x96xi32, #tpu.memory_space<vmem>> -> memref<1x96xi32, #tpu.memory_space<vmem>>
      %dma_start3A_73 = tpu.memref_squeeze %dma_start3A_72 : memref<1x96xi32, #tpu.memory_space<vmem>> -> memref<96xi32, #tpu.memory_space<vmem>>
      %dma_start3A_74 = arith.constant 0 : i32
      %dma_start3A_75 = arith.constant 0 : i32
      %dma_start3A_76 = tpu.memref_slice %arg4[%dma_start3A_74, %dma_start3A_75] : memref<147456x768xf32, #tpu.memory_space<hbm>> -> memref<147456x768xf32, #tpu.memory_space<hbm>>
      tpu.enqueue_indirect_dma source(%arg6 : memref<96x768xf32, #tpu.memory_space<vmem>>) target(%dma_start3A_76 : memref<147456x768xf32, #tpu.memory_space<hbm>>) offsets(%dma_start3A_73 : memref<96xi32, #tpu.memory_space<vmem>>) semaphore(%arg7 : memref<!tpu.dma_semaphore, #tpu.memory_space<semaphore_mem>>)
      %mul3A_77 = arith.constant 8 : i32
      %mul3A_78 = arith.muli %scan3A_55, %mul3A_77 : i32
      %add3A_79 = arith.constant 2 : i32
      %add3A_80 = arith.addi %mul3A_78, %add3A_79 : i32
      %dma_start3A_81 = arith.constant 0 : i32
      %dma_start3A_82 = tpu.memref_slice %arg5[%add3A_80, %dma_start3A_81] : memref<48x96xi32, #tpu.memory_space<vmem>> -> memref<1x96xi32, #tpu.memory_space<vmem>>
      %dma_start3A_83 = tpu.memref_squeeze %dma_start3A_82 : memref<1x96xi32, #tpu.memory_space<vmem>> -> memref<96xi32, #tpu.memory_space<vmem>>
      %dma_start3A_84 = arith.constant 0 : i32
      %dma_start3A_85 = arith.constant 0 : i32
      %dma_start3A_86 = tpu.memref_slice %arg4[%dma_start3A_84, %dma_start3A_85] : memref<147456x768xf32, #tpu.memory_space<hbm>> -> memref<147456x768xf32, #tpu.memory_space<hbm>>
      tpu.enqueue_indirect_dma source(%arg6 : memref<96x768xf32, #tpu.memory_space<vmem>>) target(%dma_start3A_86 : memref<147456x768xf32, #tpu.memory_space<hbm>>) offsets(%dma_start3A_83 : memref<96xi32, #tpu.memory_space<vmem>>) semaphore(%arg7 : memref<!tpu.dma_semaphore, #tpu.memory_space<semaphore_mem>>)
      %mul3A_87 = arith.constant 8 : i32
      %mul3A_88 = arith.muli %scan3A_55, %mul3A_87 : i32
      %add3A_89 = arith.constant 3 : i32
      %add3A_90 = arith.addi %mul3A_88, %add3A_89 : i32
      %dma_start3A_91 = arith.constant 0 : i32
      %dma_start3A_92 = tpu.memref_slice %arg5[%add3A_90, %dma_start3A_91] : memref<48x96xi32, #tpu.memory_space<vmem>> -> memref<1x96xi32, #tpu.memory_space<vmem>>
      %dma_start3A_93 = tpu.memref_squeeze %dma_start3A_92 : memref<1x96xi32, #tpu.memory_space<vmem>> -> memref<96xi32, #tpu.memory_space<vmem>>
      %dma_start3A_94 = arith.constant 0 : i32
      %dma_start3A_95 = arith.constant 0 : i32
      %dma_start3A_96 = tpu.memref_slice %arg4[%dma_start3A_94, %dma_start3A_95] : memref<147456x768xf32, #tpu.memory_space<hbm>> -> memref<147456x768xf32, #tpu.memory_space<hbm>>
      tpu.enqueue_indirect_dma source(%arg6 : memref<96x768xf32, #tpu.memory_space<vmem>>) target(%dma_start3A_96 : memref<147456x768xf32, #tpu.memory_space<hbm>>) offsets(%dma_start3A_93 : memref<96xi32, #tpu.memory_space<vmem>>) semaphore(%arg7 : memref<!tpu.dma_semaphore, #tpu.memory_space<semaphore_mem>>)
      %mul3A_97 = arith.constant 8 : i32
      %mul3A_98 = arith.muli %scan3A_55, %mul3A_97 : i32
      %add3A_99 = arith.constant 4 : i32
      %add3A_100 = arith.addi %mul3A_98, %add3A_99 : i32
      %dma_start3A_101 = arith.constant 0 : i32
      %dma_start3A_102 = tpu.memref_slice %arg5[%add3A_100, %dma_start3A_101] : memref<48x96xi32, #tpu.memory_space<vmem>> -> memref<1x96xi32, #tpu.memory_space<vmem>>
      %dma_start3A_103 = tpu.memref_squeeze %dma_start3A_102 : memref<1x96xi32, #tpu.memory_space<vmem>> -> memref<96xi32, #tpu.memory_space<vmem>>
      %dma_start3A_104 = arith.constant 0 : i32
      %dma_start3A_105 = arith.constant 0 : i32
      %dma_start3A_106 = tpu.memref_slice %arg4[%dma_start3A_104, %dma_start3A_105] : memref<147456x768xf32, #tpu.memory_space<hbm>> -> memref<147456x768xf32, #tpu.memory_space<hbm>>
      tpu.enqueue_indirect_dma source(%arg6 : memref<96x768xf32, #tpu.memory_space<vmem>>) target(%dma_start3A_106 : memref<147456x768xf32, #tpu.memory_space<hbm>>) offsets(%dma_start3A_103 : memref<96xi32, #tpu.memory_space<vmem>>) semaphore(%arg7 : memref<!tpu.dma_semaphore, #tpu.memory_space<semaphore_mem>>)
      %mul3A_107 = arith.constant 8 : i32
      %mul3A_108 = arith.muli %scan3A_55, %mul3A_107 : i32
      %add3A_109 = arith.constant 5 : i32
      %add3A_110 = arith.addi %mul3A_108, %add3A_109 : i32
      %dma_start3A_111 = arith.constant 0 : i32
      %dma_start3A_112 = tpu.memref_slice %arg5[%add3A_110, %dma_start3A_111] : memref<48x96xi32, #tpu.memory_space<vmem>> -> memref<1x96xi32, #tpu.memory_space<vmem>>
      %dma_start3A_113 = tpu.memref_squeeze %dma_start3A_112 : memref<1x96xi32, #tpu.memory_space<vmem>> -> memref<96xi32, #tpu.memory_space<vmem>>
      %dma_start3A_114 = arith.constant 0 : i32
      %dma_start3A_115 = arith.constant 0 : i32
      %dma_start3A_116 = tpu.memref_slice %arg4[%dma_start3A_114, %dma_start3A_115] : memref<147456x768xf32, #tpu.memory_space<hbm>> -> memref<147456x768xf32, #tpu.memory_space<hbm>>
      tpu.enqueue_indirect_dma source(%arg6 : memref<96x768xf32, #tpu.memory_space<vmem>>) target(%dma_start3A_116 : memref<147456x768xf32, #tpu.memory_space<hbm>>) offsets(%dma_start3A_113 : memref<96xi32, #tpu.memory_space<vmem>>) semaphore(%arg7 : memref<!tpu.dma_semaphore, #tpu.memory_space<semaphore_mem>>)
      %mul3A_117 = arith.constant 8 : i32
      %mul3A_118 = arith.muli %scan3A_55, %mul3A_117 : i32
      %add3A_119 = arith.constant 6 : i32
      %add3A_120 = arith.addi %mul3A_118, %add3A_119 : i32
      %dma_start3A_121 = arith.constant 0 : i32
      %dma_start3A_122 = tpu.memref_slice %arg5[%add3A_120, %dma_start3A_121] : memref<48x96xi32, #tpu.memory_space<vmem>> -> memref<1x96xi32, #tpu.memory_space<vmem>>
      %dma_start3A_123 = tpu.memref_squeeze %dma_start3A_122 : memref<1x96xi32, #tpu.memory_space<vmem>> -> memref<96xi32, #tpu.memory_space<vmem>>
      %dma_start3A_124 = arith.constant 0 : i32
      %dma_start3A_125 = arith.constant 0 : i32
      %dma_start3A_126 = tpu.memref_slice %arg4[%dma_start3A_124, %dma_start3A_125] : memref<147456x768xf32, #tpu.memory_space<hbm>> -> memref<147456x768xf32, #tpu.memory_space<hbm>>
      tpu.enqueue_indirect_dma source(%arg6 : memref<96x768xf32, #tpu.memory_space<vmem>>) target(%dma_start3A_126 : memref<147456x768xf32, #tpu.memory_space<hbm>>) offsets(%dma_start3A_123 : memref<96xi32, #tpu.memory_space<vmem>>) semaphore(%arg7 : memref<!tpu.dma_semaphore, #tpu.memory_space<semaphore_mem>>)
      %mul3A_127 = arith.constant 8 : i32
      %mul3A_128 = arith.muli %scan3A_55, %mul3A_127 : i32
      %add3A_129 = arith.constant 7 : i32
      %add3A_130 = arith.addi %mul3A_128, %add3A_129 : i32
      %dma_start3A_131 = arith.constant 0 : i32
      %dma_start3A_132 = tpu.memref_slice %arg5[%add3A_130, %dma_start3A_131] : memref<48x96xi32, #tpu.memory_space<vmem>> -> memref<1x96xi32, #tpu.memory_space<vmem>>
      %dma_start3A_133 = tpu.memref_squeeze %dma_start3A_132 : memref<1x96xi32, #tpu.memory_space<vmem>> -> memref<96xi32, #tpu.memory_space<vmem>>
      %dma_start3A_134 = arith.constant 0 : i32
      %dma_start3A_135 = arith.constant 0 : i32
      %dma_start3A_136 = tpu.memref_slice %arg4[%dma_start3A_134, %dma_start3A_135] : memref<147456x768xf32, #tpu.memory_space<hbm>> -> memref<147456x768xf32, #tpu.memory_space<hbm>>
      tpu.enqueue_indirect_dma source(%arg6 : memref<96x768xf32, #tpu.memory_space<vmem>>) target(%dma_start3A_136 : memref<147456x768xf32, #tpu.memory_space<hbm>>) offsets(%dma_start3A_133 : memref<96xi32, #tpu.memory_space<vmem>>) semaphore(%arg7 : memref<!tpu.dma_semaphore, #tpu.memory_space<semaphore_mem>>)
    }
    %scan3A_7 = arith.constant 6 : i32
    %dma_wait3A = arith.constant 0 : i32
    %dma_wait3A_8 = arith.constant 0 : i32
    %dma_wait3A_9 = tpu.memref_slice %arg2[%dma_wait3A, %dma_wait3A_8] : memref<18432x768xf32, #tpu.memory_space<hbm>> -> memref<96x768xf32, #tpu.memory_space<hbm>>
    %dma_wait3A_10 = arith.constant 0 : i32
    %dma_wait3A_11 = arith.constant 0 : i32
    %dma_wait3A_12 = tpu.memref_slice %arg2[%dma_wait3A_10, %dma_wait3A_11] : memref<18432x768xf32, #tpu.memory_space<hbm>> -> memref<96x768xf32, #tpu.memory_space<hbm>>
    tpu.wait_dma2 semaphore(%arg7 : memref<!tpu.dma_semaphore, #tpu.memory_space<semaphore_mem>>) src(%dma_wait3A_12 : memref<96x768xf32, #tpu.memory_space<hbm>>) dst(%arg6 : memref<96x768xf32, #tpu.memory_space<vmem>>)
    %dma_wait3A_13 = arith.constant 0 : i32
    %dma_wait3A_14 = arith.constant 0 : i32
    %dma_wait3A_15 = tpu.memref_slice %arg2[%dma_wait3A_13, %dma_wait3A_14] : memref<18432x768xf32, #tpu.memory_space<hbm>> -> memref<96x768xf32, #tpu.memory_space<hbm>>
    %dma_wait3A_16 = arith.constant 0 : i32
    %dma_wait3A_17 = arith.constant 0 : i32
    %dma_wait3A_18 = tpu.memref_slice %arg2[%dma_wait3A_16, %dma_wait3A_17] : memref<18432x768xf32, #tpu.memory_space<hbm>> -> memref<96x768xf32, #tpu.memory_space<hbm>>
    tpu.wait_dma2 semaphore(%arg7 : memref<!tpu.dma_semaphore, #tpu.memory_space<semaphore_mem>>) src(%dma_wait3A_18 : memref<96x768xf32, #tpu.memory_space<hbm>>) dst(%arg6 : memref<96x768xf32, #tpu.memory_space<vmem>>)
    %dma_wait3A_19 = arith.constant 0 : i32
    %dma_wait3A_20 = arith.constant 0 : i32
    %dma_wait3A_21 = tpu.memref_slice %arg2[%dma_wait3A_19, %dma_wait3A_20] : memref<18432x768xf32, #tpu.memory_space<hbm>> -> memref<96x768xf32, #tpu.memory_space<hbm>>
    %dma_wait3A_22 = arith.constant 0 : i32
    %dma_wait3A_23 = arith.constant 0 : i32
    %dma_wait3A_24 = tpu.memref_slice %arg2[%dma_wait3A_22, %dma_wait3A_23] : memref<18432x768xf32, #tpu.memory_space<hbm>> -> memref<96x768xf32, #tpu.memory_space<hbm>>
    tpu.wait_dma2 semaphore(%arg7 : memref<!tpu.dma_semaphore, #tpu.memory_space<semaphore_mem>>) src(%dma_wait3A_24 : memref<96x768xf32, #tpu.memory_space<hbm>>) dst(%arg6 : memref<96x768xf32, #tpu.memory_space<vmem>>)
    %dma_wait3A_25 = arith.constant 0 : i32
    %dma_wait3A_26 = arith.constant 0 : i32
    %dma_wait3A_27 = tpu.memref_slice %arg2[%dma_wait3A_25, %dma_wait3A_26] : memref<18432x768xf32, #tpu.memory_space<hbm>> -> memref<96x768xf32, #tpu.memory_space<hbm>>
    %dma_wait3A_28 = arith.constant 0 : i32
    %dma_wait3A_29 = arith.constant 0 : i32
    %dma_wait3A_30 = tpu.memref_slice %arg2[%dma_wait3A_28, %dma_wait3A_29] : memref<18432x768xf32, #tpu.memory_space<hbm>> -> memref<96x768xf32, #tpu.memory_space<hbm>>
    tpu.wait_dma2 semaphore(%arg7 : memref<!tpu.dma_semaphore, #tpu.memory_space<semaphore_mem>>) src(%dma_wait3A_30 : memref<96x768xf32, #tpu.memory_space<hbm>>) dst(%arg6 : memref<96x768xf32, #tpu.memory_space<vmem>>)
    %dma_wait3A_31 = arith.constant 0 : i32
    %dma_wait3A_32 = arith.constant 0 : i32
    %dma_wait3A_33 = tpu.memref_slice %arg2[%dma_wait3A_31, %dma_wait3A_32] : memref<18432x768xf32, #tpu.memory_space<hbm>> -> memref<96x768xf32, #tpu.memory_space<hbm>>
    %dma_wait3A_34 = arith.constant 0 : i32
    %dma_wait3A_35 = arith.constant 0 : i32
    %dma_wait3A_36 = tpu.memref_slice %arg2[%dma_wait3A_34, %dma_wait3A_35] : memref<18432x768xf32, #tpu.memory_space<hbm>> -> memref<96x768xf32, #tpu.memory_space<hbm>>
    tpu.wait_dma2 semaphore(%arg7 : memref<!tpu.dma_semaphore, #tpu.memory_space<semaphore_mem>>) src(%dma_wait3A_36 : memref<96x768xf32, #tpu.memory_space<hbm>>) dst(%arg6 : memref<96x768xf32, #tpu.memory_space<vmem>>)
    %dma_wait3A_37 = arith.constant 0 : i32
    %dma_wait3A_38 = arith.constant 0 : i32
    %dma_wait3A_39 = tpu.memref_slice %arg2[%dma_wait3A_37, %dma_wait3A_38] : memref<18432x768xf32, #tpu.memory_space<hbm>> -> memref<96x768xf32, #tpu.memory_space<hbm>>
    %dma_wait3A_40 = arith.constant 0 : i32
    %dma_wait3A_41 = arith.constant 0 : i32
    %dma_wait3A_42 = tpu.memref_slice %arg2[%dma_wait3A_40, %dma_wait3A_41] : memref<18432x768xf32, #tpu.memory_space<hbm>> -> memref<96x768xf32, #tpu.memory_space<hbm>>
    tpu.wait_dma2 semaphore(%arg7 : memref<!tpu.dma_semaphore, #tpu.memory_space<semaphore_mem>>) src(%dma_wait3A_42 : memref<96x768xf32, #tpu.memory_space<hbm>>) dst(%arg6 : memref<96x768xf32, #tpu.memory_space<vmem>>)
    %dma_wait3A_43 = arith.constant 0 : i32
    %dma_wait3A_44 = arith.constant 0 : i32
    %dma_wait3A_45 = tpu.memref_slice %arg2[%dma_wait3A_43, %dma_wait3A_44] : memref<18432x768xf32, #tpu.memory_space<hbm>> -> memref<96x768xf32, #tpu.memory_space<hbm>>
    %dma_wait3A_46 = arith.constant 0 : i32
    %dma_wait3A_47 = arith.constant 0 : i32
    %dma_wait3A_48 = tpu.memref_slice %arg2[%dma_wait3A_46, %dma_wait3A_47] : memref<18432x768xf32, #tpu.memory_space<hbm>> -> memref<96x768xf32, #tpu.memory_space<hbm>>
    tpu.wait_dma2 semaphore(%arg7 : memref<!tpu.dma_semaphore, #tpu.memory_space<semaphore_mem>>) src(%dma_wait3A_48 : memref<96x768xf32, #tpu.memory_space<hbm>>) dst(%arg6 : memref<96x768xf32, #tpu.memory_space<vmem>>)
    %dma_wait3A_49 = arith.constant 0 : i32
    %dma_wait3A_50 = arith.constant 0 : i32
    %dma_wait3A_51 = tpu.memref_slice %arg2[%dma_wait3A_49, %dma_wait3A_50] : memref<18432x768xf32, #tpu.memory_space<hbm>> -> memref<96x768xf32, #tpu.memory_space<hbm>>
    %dma_wait3A_52 = arith.constant 0 : i32
    %dma_wait3A_53 = arith.constant 0 : i32
    %dma_wait3A_54 = tpu.memref_slice %arg2[%dma_wait3A_52, %dma_wait3A_53] : memref<18432x768xf32, #tpu.memory_space<hbm>> -> memref<96x768xf32, #tpu.memory_space<hbm>>
    tpu.wait_dma2 semaphore(%arg7 : memref<!tpu.dma_semaphore, #tpu.memory_space<semaphore_mem>>) src(%dma_wait3A_54 : memref<96x768xf32, #tpu.memory_space<hbm>>) dst(%arg6 : memref<96x768xf32, #tpu.memory_space<vmem>>)
    return
  }
}

</mosaic_0001>

<sc_bundles>
// kernel: kernel.3.cloned.1.call-start
scs
__scs_entry_jumppad:
0x0: {  	(pc) =	sbr.rel $0x88, $3  }
0x1: {  	(tag) =	ssettag $0x0;
	lr =	simm.s32 $0x1  }
0x2: {  	[smem:$0x3FA0] =	sst lr;
	_ =	strace $0xD0000000  }
0x3: {  	_ = 	snop  }
0x4: {  	_ = 	snop  }
0x5: {  	_ = 	snop  }
0x6: {  	_ = 	snop  }
0x7: {  	_ = 	snop  }
__scs_overlays_trampoline_lowered:
0x8: {  	[smem:$0x3FAF] =	sst s0  }
0x9: {  	[smem:$0x3FB0] =	sst s1  }
0xa: {  	[smem:$0x3FB1] =	sst s2  }
0xb: {  	[smem:$0x3FB2] =	sst s3  }
0xc: {  	[smem:$0x3FB3] =	sst s4  }
0xd: {  	[smem:$0x3FB4] =	sst s5  }
0xe: {  	[smem:$0x3FB5] =	sst s6  }
0xf: {  	[smem:$0x3FB6] =	sst s7  }
0x10: {  	[smem:$0x3FB7] =	sst s8  }
0x11: {  	[smem:$0x3FB8] =	sst s9;
	s0 =	simm.s32 @!p0 $0x0  }
0x12: {  	s1 =	sld [smem:$0x3F9E];
	s0 =	simm.s32 @p0 $0x1  }
0x13: {  	[smem:$0x3FB9] =	sst s0;
	s0 =	simm.s32 @!p1 $0x0  }
0x14: {  	s2 =	sld [smem:$0x3F9D];
	s0 =	simm.s32 @p1 $0x1  }
0x15: {  	[smem:$0x3FBA] =	sst s0;
	s0 =	simm.s32 @!p2 $0x0  }
0x16: {  	s3 =	sld [smem:$0x3FDB];
	s0 =	simm.s32 @p2 $0x1  }
0x17: {  	s4 =	simm.s32 $0x1BF5;
	[smem:$0x3FBC] =	sst s0  }
0x18: {  	s0 =	sld [smem:$0x3F9F];
	_ =	swait.ge [sflag:s4], $0x0  }
0x19: {  	s7 =	sld [smem:$0x3FA0]  }
0x1a: {  	s8 =	sadd.s32 $0xFFFFE003, lr  }
0x1b: {  	s9 =	sadd.s32 $0xFFFFFEF7, lr;
	s5 =	simm.s32 $0xFFFFFFFF;
	p2 =	slt.u32 s8, $0xFFFFF086  }
0x1c: {  	p1 =	slt.u32 s9, $0xF7A;
	s5 =	simm.s32 @!p2 $0x0  }
0x1d: {  	s5 =	simm.s32 @p1 $0x1;
	p0 =	seq.s32 s7, s2  }
0x1e: {  	s7 =	smul.u32 @!p0 $0xF7A, s2;
	p2 =	seq.s32 @!p0 s5, $0x0  }
0x1f: {  	s9 =	smul.u32 $0xF7A, s1;
	s8 =	simm.s32 @!p0 $0x1BF5;
	p2 =	por !p2, p0  }
0x20: {  	[sflag:s8] =	ssyncset.s32 @!p0 $0xFFFFF086;
	s6 =	sadd.s32 @!p0 s3, s7;
	s7 =	simm.s32 @!p0 $0x108  }
0x21: {  	s3 =	sadd.s32 s3, s9;
	s6 =	sadd.s32 @!p0 $0x88, s6;
	s7 =	simm.s32 @p2 $0x1082  }
0x22: {  	[simem:s7], [sflag:s8] =	dma.local @!p0 [hbm:s6], $0xF7A  }
0x23: {  	s9 =	sor.u32 $0xD0000000, s2;
	s6 =	simm.s32 $0x108;
	_ =	swait.ge @!p0 [sflag:s8], $0x0  }
0x24: {  	s3 =	sadd.s32 $0x88, s3;
	s6 =	simm.s32 @!p1 $0x1082;
	[sflag:s4] =	ssyncset.s32 $0xFFFFF086  }
0x25: {  	[simem:s6], [sflag:s4] =	dma.local [hbm:s3], $0xF7A  }
0x26: {  	[smem:$0x3FA0] =	sst s1;
	(tag) =	ssettag s2;
	_ =	strace s9  }
0x27: {  	s1 =	sld [smem:$0x3FB0]  }
0x28: {  	s2 =	sld [smem:$0x3FB1]  }
0x29: {  	s4 =	sld [smem:$0x3FB3]  }
0x2a: {  	p0 =	seq.s32 s5, $0x0;
	s5 =	sld [smem:$0x3FB4]  }
0x2b: {  	s6 =	sld [smem:$0x3FB5]  }
0x2c: {  	s7 =	sld [smem:$0x3FB6]  }
0x2d: {  	s3 =	simm.s32 $0x108;
	s8 =	sld [smem:$0x3FB7]  }
0x2e: {  	s3 =	simm.s32 @!p0 $0x1082;
	s9 =	sld [smem:$0x3FB8]  }
0x2f: {  	lr =	sadd.s32 s0, s3;
	s0 =	sld [smem:$0x3FAF]  }
0x30: {  	s3 =	sld [smem:$0x3FB2]  }
0x31: {  	[smem:$0x3FBB] =	sst s10  }
0x32: {  	s10 =	sld [smem:$0x3FB9];
	_ =	sdelay $0x3  }
0x33: {  	p0 =	seq.s32 s10, $0x1;
	s10 =	sld [smem:$0x3FBB];
	_ =	sdelay $0x3  }
0x34: {  	[smem:$0x3FBB] =	sst s10  }
0x35: {  	s10 =	sld [smem:$0x3FBA];
	_ =	sdelay $0x3  }
0x36: {  	p1 =	seq.s32 s10, $0x1;
	s10 =	sld [smem:$0x3FBB];
	_ =	sdelay $0x3  }
0x37: {  	[smem:$0x3FBB] =	sst s10  }
0x38: {  	s10 =	sld [smem:$0x3FBC]  }
0x39: {  	_ = 	snop;
	(pc) =	sbr.ind lr, $3  }
0x3a: {  	_ = 	snop  }
0x3b: {  	_ = 	snop  }
0x3c: {  	p2 =	seq.s32 s10, $0x1;
	s10 =	sld [smem:$0x3FBB]  }
0x3d: {  	_ =	shalt  }
0x3e: {  	_ =	shalt  }
0x3f: {  	_ =	shalt  }
0x40: {  	_ =	shalt  }
0x41: {  	_ =	shalt  }
0x42: {  	_ =	shalt  }
0x43: {  	_ =	shalt  }
0x44: {  	_ =	shalt  }
0x45: {  	_ =	shalt  }
0x46: {  	_ =	shalt  }
0x47: {  	_ =	shalt  }
0x48: {  	_ =	shalt  }
0x49: {  	_ =	shalt  }
0x4a: {  	_ =	shalt  }
0x4b: {  	_ =	shalt  }
0x4c: {  	_ =	shalt  }
0x4d: {  	_ =	shalt  }
0x4e: {  	_ =	shalt  }
0x4f: {  	_ =	shalt  }
0x50: {  	_ =	shalt  }
0x51: {  	_ =	shalt  }
0x52: {  	_ =	shalt  }
0x53: {  	_ =	shalt  }
0x54: {  	_ =	shalt  }
0x55: {  	_ =	shalt  }
0x56: {  	_ =	shalt  }
0x57: {  	_ =	shalt  }
0x58: {  	_ =	shalt  }
0x59: {  	_ =	shalt  }
0x5a: {  	_ =	shalt  }
0x5b: {  	_ =	shalt  }
0x5c: {  	_ =	shalt  }
0x5d: {  	_ =	shalt  }
0x5e: {  	_ =	shalt  }
0x5f: {  	_ =	shalt  }
0x60: {  	_ =	shalt  }
0x61: {  	_ =	shalt  }
0x62: {  	_ =	shalt  }
0x63: {  	_ =	shalt  }
0x64: {  	_ =	shalt  }
0x65: {  	_ =	shalt  }
0x66: {  	_ =	shalt  }
0x67: {  	_ =	shalt  }
0x68: {  	_ =	shalt  }
0x69: {  	_ =	shalt  }
0x6a: {  	_ =	shalt  }
0x6b: {  	_ =	shalt  }
0x6c: {  	_ =	shalt  }
0x6d: {  	_ =	shalt  }
0x6e: {  	_ =	shalt  }
0x6f: {  	_ =	shalt  }
0x70: {  	_ =	shalt  }
0x71: {  	_ =	shalt  }
0x72: {  	_ =	shalt  }
0x73: {  	_ =	shalt  }
0x74: {  	_ =	shalt  }
0x75: {  	_ =	shalt  }
0x76: {  	_ =	shalt  }
0x77: {  	_ =	shalt  }
0x78: {  	_ =	shalt  }
0x79: {  	_ =	shalt  }
0x7a: {  	_ =	shalt  }
0x7b: {  	_ =	shalt  }
0x7c: {  	_ =	shalt  }
0x7d: {  	_ =	shalt  }
0x7e: {  	_ =	shalt  }
0x7f: {  	_ =	shalt  }
0x80: {  	_ =	shalt  }
0x81: {  	_ =	shalt  }
0x82: {  	_ =	shalt  }
0x83: {  	_ =	shalt  }
0x84: {  	_ =	shalt  }
0x85: {  	_ =	shalt  }
0x86: {  	_ =	shalt  }
0x87: {  	_ =	shalt  }
.Lfunc_end0:
.L_simem_size_0:
called_computation_lowered:
.L_overlay_start_0:
0x88: {  	s2 =	sld [smem:$0x3FD9]  }
0x89: {  	s3 =	sld [smem:$0x3FFE];
	_ =	sdelay $0x1  }
0x8a: {  	s1 =	srdreg.scid  }
0x8b: {  	s0 =	sand.u32 $0x1, s1  }
0x8c: {  	s14 =	sshll.u32 s0, $0xA;
	s2 =	sadd.s32 s3, s2  }
0x8d: {  	s2 =	sadd.s32 s2, s14  }
0x8e: {  	[smem:$0x3FC7] =	sst s2  }
0x8f: {  	_ = 	snop  }
0x90: {  	s2 =	sld [smem:$0x3FD0];
	_ =	sdelay $0x2  }
0x91: {  	s4 =	simm.s32 $0xA;
	s5 =	simm.s32 $0x10;
	s15 =	sld [smem:$0x3FC9]  }
0x92: {  	[smem:s5], [sflag:s4] =	dma.local [hbm:s2], $0x1  }
0x93: {  	_ =	swait.eq [sflag:s4], $0x1  }
0x94: {  	[sflag:s4] =	ssyncset.done $0x0  }
0x95: {  	[sflag:s4] =	ssyncadd.s32 $0xFFFFFFFF  }
0x96: {  	s16 =	sld [smem:$0x10];
	(tm) =	ssettm $0x1  }
0x97: {  	s17 =	sld [smem:$0x3FFB];
	_ =	sdelay $0x3  }
0x98: {  	_ =	strace s17  }
0x99: {  	s4 =	sld [smem:$0x3FFC];
	_ =	sdelay $0x3  }
0x9a: {  	_ =	strace s4  }
0x9b: {  	s4 =	sld [smem:$0x3FFD];
	_ =	sdelay $0x3  }
0x9c: {  	_ =	strace s4  }
0x9d: {  	_ =	strace $0x8FFFFFFF  }
0x9e: {  	s18 =	sld [smem:$0x3FDB];
	_ =	sdelay $0x1  }
0x9f: {  	s19 =	simm.s32 $_scs_section_size  }
0xa0: {  	s6 =	simm.s32 $_size__tile_overlayer_lowered;
	s7 =	simm.s32 $_tile_overlayer_lowered  }
0xa1: {  	s22 =	simm.s32 $0x1BFF;
	s21 =	sshll.u32 s7, $0x1;
	s4 =	sadd.s32 s19, s18  }
0xa2: {  	s8 =	simm.s32 $0x0;
	s20 =	sshll.u32 s6, $0x1;
	s6 =	sadd.s32 s21, s4  }
0xa3: {  	[timem:s8], [sflag:s22] =	dma.local [hbm:s6], s20  }
0xa4: {  	_ =	swait.ge [sflag:s22], s20  }
0xa5: {  	s5 =	ssub.s32 $0x0, s20;
	[sflag:s22] =	ssyncset.done $0x0  }
0xa6: {  	[sflag:s22] =	ssyncadd.s32 s5;
	_ =	sdelay $0x1  }
0xa7: {  	s23 =	simm.s32 $0x1B8B  }
0xa8: {  	_ =	swait.ge [sflag:s23], $0x1  }
0xa9: {  	[sflag:s23] =	ssyncset.done $0x0  }
0xaa: {  	s25 =	simm.s32 $0x1B8E;
	s24 =	sld [smem:$0x3FFE];
	[sflag:s23] =	ssyncadd.s32 $0xFFFFFFFF  }
0xab: {  	s26 =	simm.s32 $execute0_lowered;
	[smem:$0x3FD2] =	sst s25  }
0xac: {  	s6 =	sshll.u32 s26, $0x1;
	_ =	strace $0x80000046;
	[dreg:$0x1] =	wrdreg $0xFFFFFFFF  }
0xad: {  	s28 =	simm.s32 $_size_execute0_lowered;
	s4 =	sadd.s32 s4, s6;
	[dreg:$0x0] =	wrdreg $0x0  }
0xae: {  	s6 =	sshll.u32 s28, $0x1;
	[dreg:$0x2] =	wrdreg s4  }
0xaf: {  	[dreg:$0x3] =	wrdreg s6  }
0xb0: {  	[dreg:$0x4] =	wrdreg $0xC0  }
0xb1: {  	_ =	task [dreg:s8], $0x5FFFF  }
0xb2: {  	[dreg:$0x1] =	wrdreg $0xFFFFFFFF  }
0xb3: {  	[dreg:$0x0] =	wrdreg $0x60  }
0xb4: {  	[dreg:$0x2] =	wrdreg s15  }
0xb5: {  	[dreg:$0x3] =	wrdreg s24  }
0xb6: {  	[dreg:$0x4] =	wrdreg s16  }
0xb7: {  	[dreg:$0x5] =	wrdreg $0x9  }
0xb8: {  	_ =	task.clear_ibuf [dreg:s8], $0x6FFFF;
	_ =	strace $0x90000046  }
0xb9: {  	s29 =	simm.s32 $0x9;
	_ =	strace $0x80000048  }
0xba: {  	_ =	swait.ge [sflag:s29], $0x1  }
0xbb: {  	[sflag:s29] =	ssyncadd.s32 $0xFFFFFFFF  }
0xbc: {  	_ =	strace $0x90000048  }
0xbd: {  	_ =	sfence  }
0xbe: {  	s30 =	sld [smem:$0x0];
	_ =	sdelay $0x2  }
0xbf: {  	s31 =	sshll.u32 s1, $0xD;
	s1 =	sshrl.u32 s1, $0x2  }
0xc0: {  	s3 =	sand.u32 $0x4000, s31;
	s1 =	sadd.s32 s1, s30  }
0xc1: {  	s0 =	sor.u32 s3, s0;
	s1 =	sshll.u32 s1, $0x11  }
0xc2: {  	s0 =	sor.u32 s1, s0  }
0xc3: {  	s0 =	sadd.s32 $0x8F2B, s0  }
0xc4: {  	[sflag:s0] =	ssyncadd.remote.s32 $0x1  }
0xc5: {  	_ =	sfence.sel $0xFFFF  }
0xc6: {  	[dreg:$0x0] =	wrdreg $0xFFFFFFFF;
	(pc) =	sbr.abs _section_cstart, $3  }
0xc7: {  	[dreg:$0x1] =	wrdreg $0xFFFFFFFF  }
0xc8: {  	_ =	task.clear_ibuf [dreg:s8], $0x2FFFF;
	_ =	strace $0x9FFFFFFF  }
0xc9: {  	(tm) =	ssettm $0x7FFFFFFF  }
tec
execute0_lowered:
.L_overlay_start_1:
0x0: {  	(tag) =	ssettag $0x1  }
0x1: {  	s1 =	rddreg [dreg:$0x0]  }
0x2: {  	s0 =	srdreg.scid;
	s4 =	rddreg [dreg:$0x1]  }
0x3: {  	s6 =	stileid.u32;
	s2 =	rddreg [dreg:$0x2]  }
0x4: {  	s22 =	simm.s32 $0x2;
	s23 =	simm.s32 $0x2800;
	s24 =	simm.s32 $0x3000  }
0x5: {  	s28 =	simm.s32 $0x4800;
	s29 =	simm.s32 $0x5000;
	s30 =	simm.s32 $0x5800  }
0x6: {  	s31 =	simm.s32 $0x6000;
	s8 =	simm.s32 $0x8000;
	s9 =	simm.s32 $0x8800  }
0x7: {  	s10 =	simm.s32 $0x9000;
	s11 =	simm.s32 $0x9800;
	s12 =	simm.s32 $0xA000  }
0x8: {  	s13 =	simm.s32 $0xA800;
	s14 =	simm.s32 $0xB000;
	s15 =	simm.s32 $0xB800  }
0x9: {  	s0 =	sand.u32 $0x1, s0;
	s3 =	smul.u32 $0x480, s6;
	s6 =	sshll.u32 s6, $0x1  }
0xa: {  	s16 =	simm.s32 $0xC000;
	s5 =	smul.u32 $0x240, s0;
	s6 =	sor.u32 s0, s6  }
0xb: {  	s17 =	simm.s32 $0xC800;
	s0 =	ssub.s32 $0x2, s0;
	s6 =	smul.u32 $0x300, s6  }
0xc: {  	s25 =	sshrl.u32 s0, $0x1;
	s5 =	sadd.s32 s5, s3;
	s3 =	simm.s32 $0x0  }
0xd: {  	s0 =	ssub.s32 s0, s25;
	s25 =	simm.s32 $0x3800;
	s5 =	sshrl.u32 s5, $0x3  }
0xe: {  	[smem:$0x7FF] =	sst s3;
	s4 =	sadd.s32 s6, s4;
	s6 =	sadd.s32 $0x200, s2  }
0xf: {  	s0 =	smax.u32 s0, $0x1;
	s7 =	smul.u32 $0x300, s5;
	_ =	strace $0x80000047  }
0x10: {  	s4 =	sadd.s32 $0x600, s4;
	s5 =	sadd.s32 $0x100, s2;
	[dreg:$0x7] =	wrdreg s0  }
0x11: {  	v2 =	vlaneseq.u32;
	[dreg:$0x6] =	wrdreg s4;
	s4 =	simm.s32 $0x7000;
	s26 =	sadd.s32 s7, s2  }
0x12: {  	vm0 =	vmmov $0xffff;
	v1 =	vshrl.u32 v2, $0x3;
	s1 =	sadd.s32 s7, s1;
	s7 =	simm.s32 $0x7800;
	[dreg:$0x4] =	wrdreg s26  }
0x13: {  	v0 =	vand.u32 $0x7, v2;
	v2 =	vor.u32 $0x8, v2;
	v1 =	vmul.u32 $0x8, v1;
	[dreg:$0x5] =	wrdreg s1;
	s1 =	simm.s32 $0x0;
	s26 =	simm.s32 $0x4000  }
.LBB2_1:
0x14: {  	[dreg:$0x8] =	wrdreg s1  }
0x15: {  	s19 =	rddreg [dreg:$0x6]  }
0x16: {  	[tilespmem:s3], [sflag:$0x2] =	stream.linear.gather [hbm4b:s19+s3], $0x1800, $0x38;
	[tilespmem:$0x13800] =	vst v63  }
0x17: {  	_ =	swait.ge [sflag:s22], $0x1800  }
0x18: {  	[sflag:s22] =	ssyncset.done $0x0  }
0x19: {  	s20 =	simm.s32 $0x0;
	s19 =	simm.s32 $0x200;
	[sflag:s22] =	ssyncadd.s32 $0xFFFFE800  }
.LBB2_2:
0x1a: {  	p0 =	seq.s32 s20, $0x0  }
0x1b: {  	s21 =	simm.s32 @!p0 $0x1  }
0x1c: {  	_ =	swait.ge @!p0 [sflag:s21], $0x12000  }
0x1d: {  	[sflag:s21] =	ssyncset.done @!p0 $0x0  }
0x1e: {  	[sflag:s21] =	ssyncadd.s32 @!p0 $0xFFFEE000  }
0x1f: {  	_ =	swait.ge @!p0 [sflag:s21], $0x12000  }
0x20: {  	[sflag:s21] =	ssyncset.done @!p0 $0x0  }
0x21: {  	[sflag:s21] =	ssyncadd.s32 @!p0 $0xFFFEE000  }
0x22: {  	_ =	swait.ge @!p0 [sflag:s21], $0x12000  }
0x23: {  	[sflag:s21] =	ssyncset.done @!p0 $0x0  }
0x24: {  	[sflag:s21] =	ssyncadd.s32 @!p0 $0xFFFEE000  }
0x25: {  	_ =	swait.ge @!p0 [sflag:s21], $0x12000  }
0x26: {  	[sflag:s21] =	ssyncset.done @!p0 $0x0  }
0x27: {  	[sflag:s21] =	ssyncadd.s32 @!p0 $0xFFFEE000  }
0x28: {  	_ =	swait.ge @!p0 [sflag:s21], $0x12000  }
0x29: {  	[sflag:s21] =	ssyncset.done @!p0 $0x0  }
0x2a: {  	[sflag:s21] =	ssyncadd.s32 @!p0 $0xFFFEE000  }
0x2b: {  	_ =	swait.ge @!p0 [sflag:s21], $0x12000  }
0x2c: {  	[sflag:s21] =	ssyncset.done @!p0 $0x0  }
0x2d: {  	[sflag:s21] =	ssyncadd.s32 @!p0 $0xFFFEE000  }
0x2e: {  	_ =	swait.ge @!p0 [sflag:s21], $0x12000  }
0x2f: {  	[sflag:s21] =	ssyncset.done @!p0 $0x0  }
0x30: {  	[sflag:s21] =	ssyncadd.s32 @!p0 $0xFFFEE000  }
0x31: {  	_ =	swait.ge @!p0 [sflag:s21], $0x12000  }
0x32: {  	s0 =	simm.s32 $0x1800;
	s22 =	rddreg [dreg:$0x5];
	[sflag:s21] =	ssyncset.done @!p0 $0x0  }
0x33: {  	[sflag:s21] =	ssyncadd.s32 @!p0 $0xFFFEE000;
	s18 =	sadd.s32 s20, s22;
	s22 =	simm.s32 $0x2  }
0x34: {  	[tilespmem:s0], [sflag:$0x2] =	stream.linear.gather [hbm4b:s18+s3], $0x12000, $0x38;
	[tilespmem:$0x13800] =	vst v63  }
0x35: {  	_ =	swait.ge [sflag:s22], $0x12000  }
0x36: {  	s18 =	rddreg [dreg:$0x4];
	[sflag:s22] =	ssyncset.done $0x0  }
0x37: {  	[sflag:s22] =	ssyncadd.s32 $0xFFFEE000;
	s21 =	sadd.s32 s20, s18  }
0x38: {  	[hbm4b:s21+s3] =	stream.linear.scatter [tilespmem:s0], [sflag:$0x1], $0x12000, $0x38;
	[tilespmem:$0x13800] =	vst v63  }
0x39: {  	v3 =	vld [tilespmem:s19+$0xFFFFFE80];
	_ =	sdelay $0x4  }
0x3a: {  	v4 =	vshrl.u32 v3, $0x3  }
0x3b: {  	v4 =	vmul.u32 $0x30, v4  }
0x3c: {  	v3 =	vand.u32 $0x7, v3  }
0x3d: {  	v3 =	vor.u32 v3, v4  }
0x3e: {  	v4 =	vperm.xlane v3, v0;
	_ =	sdelay $0x1  }
0x3f: {  	v4 =	vadd.s32 v1, v4;
	_ =	sdelay $0x3  }
0x40: {  	v3 =	vperm.xlane v3, v2  }
0x41: {  	[hbm4b:s2+s3] =	stream.indirect_vreg.scatter [tilespmem:s0], [sflag:$0x1], $0x80, v4, vm0, $0xb8;
	[tilespmem:$0x13800] =	vst v63  }
0x42: {  	s21 =	simm.s32 $0x2000;
	v3 =	vadd.s32 v1, v3  }
0x43: {  	[hbm4b:s5+s3] =	stream.indirect_vreg.scatter [tilespmem:s21], [sflag:$0x1], $0x80, v4, vm0, $0xb8;
	[tilespmem:$0x13800] =	vst v63  }
0x44: {  	_ = 	snop  }
0x45: {  	[hbm4b:s6+s3] =	stream.indirect_vreg.scatter [tilespmem:s23], [sflag:$0x1], $0x80, v4, vm0, $0xb8;
	[tilespmem:$0x13800] =	vst v63  }
0x46: {  	_ = 	snop  }
0x47: {  	[hbm4b:s2+s3] =	stream.indirect_vreg.scatter [tilespmem:s24], [sflag:$0x1], $0x80, v3, vm0, $0xb8;
	[tilespmem:$0x13800] =	vst v63  }
0x48: {  	_ = 	snop  }
0x49: {  	[hbm4b:s5+s3] =	stream.indirect_vreg.scatter [tilespmem:s25], [sflag:$0x1], $0x80, v3, vm0, $0xb8;
	[tilespmem:$0x13800] =	vst v63  }
0x4a: {  	_ = 	snop  }
0x4b: {  	[hbm4b:s6+s3] =	stream.indirect_vreg.scatter [tilespmem:s26], [sflag:$0x1], $0x80, v3, vm0, $0xb8;
	[tilespmem:$0x13800] =	vst v63  }
0x4c: {  	v3 =	vld [tilespmem:s19+$0xFFFFFE90];
	_ =	sdelay $0x4  }
0x4d: {  	v23 =	vshrl.u32 v3, $0x3  }
0x4e: {  	v4 =	vmul.u32 $0x30, v23  }
0x4f: {  	v3 =	vand.u32 $0x7, v3  }
0x50: {  	v3 =	vor.u32 v3, v4  }
0x51: {  	v4 =	vperm.xlane v3, v0;
	_ =	sdelay $0x1  }
0x52: {  	v4 =	vadd.s32 v1, v4;
	_ =	sdelay $0x3  }
0x53: {  	v3 =	vperm.xlane v3, v2  }
0x54: {  	[hbm4b:s2+s3] =	stream.indirect_vreg.scatter [tilespmem:s28], [sflag:$0x1], $0x80, v4, vm0, $0xb8;
	[tilespmem:$0x13800] =	vst v63  }
0x55: {  	v3 =	vadd.s32 v1, v3  }
0x56: {  	[hbm4b:s5+s3] =	stream.indirect_vreg.scatter [tilespmem:s29], [sflag:$0x1], $0x80, v4, vm0, $0xb8;
	[tilespmem:$0x13800] =	vst v63  }
0x57: {  	_ = 	snop  }
0x58: {  	[hbm4b:s6+s3] =	stream.indirect_vreg.scatter [tilespmem:s30], [sflag:$0x1], $0x80, v4, vm0, $0xb8;
	[tilespmem:$0x13800] =	vst v63  }
0x59: {  	_ = 	snop  }
0x5a: {  	[hbm4b:s2+s3] =	stream.indirect_vreg.scatter [tilespmem:s31], [sflag:$0x1], $0x80, v3, vm0, $0xb8;
	[tilespmem:$0x13800] =	vst v63  }
0x5b: {  	s1 =	simm.s32 $0x6800  }
0x5c: {  	[hbm4b:s5+s3] =	stream.indirect_vreg.scatter [tilespmem:s1], [sflag:$0x1], $0x80, v3, vm0, $0xb8;
	[tilespmem:$0x13800] =	vst v63  }
0x5d: {  	_ = 	snop  }
0x5e: {  	[hbm4b:s6+s3] =	stream.indirect_vreg.scatter [tilespmem:s4], [sflag:$0x1], $0x80, v3, vm0, $0xb8;
	[tilespmem:$0x13800] =	vst v63  }
0x5f: {  	v3 =	vld [tilespmem:s19+$0xFFFFFEA0];
	_ =	sdelay $0x4  }
0x60: {  	v24 =	vshrl.u32 v3, $0x3  }
0x61: {  	v4 =	vmul.u32 $0x30, v24  }
0x62: {  	v3 =	vand.u32 $0x7, v3  }
0x63: {  	v3 =	vor.u32 v3, v4  }
0x64: {  	v4 =	vperm.xlane v3, v0;
	_ =	sdelay $0x1  }
0x65: {  	v4 =	vadd.s32 v1, v4;
	_ =	sdelay $0x3  }
0x66: {  	v3 =	vperm.xlane v3, v2  }
0x67: {  	[hbm4b:s2+s3] =	stream.indirect_vreg.scatter [tilespmem:s7], [sflag:$0x1], $0x80, v4, vm0, $0xb8;
	[tilespmem:$0x13800] =	vst v63  }
0x68: {  	v3 =	vadd.s32 v1, v3  }
0x69: {  	[hbm4b:s5+s3] =	stream.indirect_vreg.scatter [tilespmem:s8], [sflag:$0x1], $0x80, v4, vm0, $0xb8;
	[tilespmem:$0x13800] =	vst v63  }
0x6a: {  	_ = 	snop  }
0x6b: {  	[hbm4b:s6+s3] =	stream.indirect_vreg.scatter [tilespmem:s9], [sflag:$0x1], $0x80, v4, vm0, $0xb8;
	[tilespmem:$0x13800] =	vst v63  }
0x6c: {  	_ = 	snop  }
0x6d: {  	[hbm4b:s2+s3] =	stream.indirect_vreg.scatter [tilespmem:s10], [sflag:$0x1], $0x80, v3, vm0, $0xb8;
	[tilespmem:$0x13800] =	vst v63  }
0x6e: {  	_ = 	snop  }
0x6f: {  	[hbm4b:s5+s3] =	stream.indirect_vreg.scatter [tilespmem:s11], [sflag:$0x1], $0x80, v3, vm0, $0xb8;
	[tilespmem:$0x13800] =	vst v63  }
0x70: {  	_ = 	snop  }
0x71: {  	[hbm4b:s6+s3] =	stream.indirect_vreg.scatter [tilespmem:s12], [sflag:$0x1], $0x80, v3, vm0, $0xb8;
	[tilespmem:$0x13800] =	vst v63  }
0x72: {  	v3 =	vld [tilespmem:s19+$0xFFFFFEB0];
	_ =	sdelay $0x4  }
0x73: {  	v25 =	vshrl.u32 v3, $0x3  }
0x74: {  	v4 =	vmul.u32 $0x30, v25  }
0x75: {  	v3 =	vand.u32 $0x7, v3  }
0x76: {  	v3 =	vor.u32 v3, v4  }
0x77: {  	v4 =	vperm.xlane v3, v0;
	_ =	sdelay $0x1  }
0x78: {  	v4 =	vadd.s32 v1, v4;
	_ =	sdelay $0x3  }
0x79: {  	v3 =	vperm.xlane v3, v2  }
0x7a: {  	[hbm4b:s2+s3] =	stream.indirect_vreg.scatter [tilespmem:s13], [sflag:$0x1], $0x80, v4, vm0, $0xb8;
	[tilespmem:$0x13800] =	vst v63  }
0x7b: {  	v3 =	vadd.s32 v1, v3  }
0x7c: {  	[hbm4b:s5+s3] =	stream.indirect_vreg.scatter [tilespmem:s14], [sflag:$0x1], $0x80, v4, vm0, $0xb8;
	[tilespmem:$0x13800] =	vst v63  }
0x7d: {  	_ = 	snop  }
0x7e: {  	[hbm4b:s6+s3] =	stream.indirect_vreg.scatter [tilespmem:s15], [sflag:$0x1], $0x80, v4, vm0, $0xb8;
	[tilespmem:$0x13800] =	vst v63  }
0x7f: {  	_ = 	snop  }
0x80: {  	[hbm4b:s2+s3] =	stream.indirect_vreg.scatter [tilespmem:s16], [sflag:$0x1], $0x80, v3, vm0, $0xb8;
	[tilespmem:$0x13800] =	vst v63  }
0x81: {  	_ = 	snop  }
0x82: {  	[hbm4b:s5+s3] =	stream.indirect_vreg.scatter [tilespmem:s17], [sflag:$0x1], $0x80, v3, vm0, $0xb8;
	[tilespmem:$0x13800] =	vst v63  }
0x83: {  	s18 =	simm.s32 $0xD000  }
0x84: {  	[hbm4b:s6+s3] =	stream.indirect_vreg.scatter [tilespmem:s18], [sflag:$0x1], $0x80, v3, vm0, $0xb8;
	[tilespmem:$0x13800] =	vst v63  }
0x85: {  	v3 =	vld [tilespmem:s19+$0xFFFFFEC0];
	_ =	sdelay $0x4  }
0x86: {  	v26 =	vshrl.u32 v3, $0x3  }
0x87: {  	v4 =	vmul.u32 $0x30, v26  }
0x88: {  	v3 =	vand.u32 $0x7, v3  }
0x89: {  	v3 =	vor.u32 v3, v4  }
0x8a: {  	v4 =	vperm.xlane v3, v0;
	_ =	sdelay $0x1  }
0x8b: {  	v4 =	vadd.s32 v1, v4;
	_ =	sdelay $0x3  }
0x8c: {  	s18 =	simm.s32 $0xD800;
	v3 =	vperm.xlane v3, v2  }
0x8d: {  	[hbm4b:s2+s3] =	stream.indirect_vreg.scatter [tilespmem:s18], [sflag:$0x1], $0x80, v4, vm0, $0xb8;
	[tilespmem:$0x13800] =	vst v63  }
0x8e: {  	v3 =	vadd.s32 v1, v3;
	s18 =	simm.s32 $0xE000  }
0x8f: {  	[hbm4b:s5+s3] =	stream.indirect_vreg.scatter [tilespmem:s18], [sflag:$0x1], $0x80, v4, vm0, $0xb8;
	[tilespmem:$0x13800] =	vst v63  }
0x90: {  	s18 =	simm.s32 $0xE800  }
0x91: {  	[hbm4b:s6+s3] =	stream.indirect_vreg.scatter [tilespmem:s18], [sflag:$0x1], $0x80, v4, vm0, $0xb8;
	[tilespmem:$0x13800] =	vst v63  }
0x92: {  	s18 =	simm.s32 $0xF000  }
0x93: {  	[hbm4b:s2+s3] =	stream.indirect_vreg.scatter [tilespmem:s18], [sflag:$0x1], $0x80, v3, vm0, $0xb8;
	[tilespmem:$0x13800] =	vst v63  }
0x94: {  	s18 =	simm.s32 $0xF800  }
0x95: {  	[hbm4b:s5+s3] =	stream.indirect_vreg.scatter [tilespmem:s18], [sflag:$0x1], $0x80, v3, vm0, $0xb8;
	[tilespmem:$0x13800] =	vst v63  }
0x96: {  	s18 =	simm.s32 $0x10000  }
0x97: {  	[hbm4b:s6+s3] =	stream.indirect_vreg.scatter [tilespmem:s18], [sflag:$0x1], $0x80, v3, vm0, $0xb8;
	[tilespmem:$0x13800] =	vst v63  }
0x98: {  	v3 =	vld [tilespmem:s19+$0xFFFFFED0];
	_ =	sdelay $0x4  }
0x99: {  	v27 =	vshrl.u32 v3, $0x3  }
0x9a: {  	v4 =	vmul.u32 $0x30, v27  }
0x9b: {  	v3 =	vand.u32 $0x7, v3  }
0x9c: {  	v3 =	vor.u32 v3, v4  }
0x9d: {  	v4 =	vperm.xlane v3, v0;
	_ =	sdelay $0x1  }
0x9e: {  	v4 =	vadd.s32 v1, v4;
	_ =	sdelay $0x3  }
0x9f: {  	s18 =	simm.s32 $0x10800;
	v3 =	vperm.xlane v3, v2  }
0xa0: {  	[hbm4b:s2+s3] =	stream.indirect_vreg.scatter [tilespmem:s18], [sflag:$0x1], $0x80, v4, vm0, $0xb8;
	[tilespmem:$0x13800] =	vst v63  }
0xa1: {  	v3 =	vadd.s32 v1, v3;
	s18 =	simm.s32 $0x11000  }
0xa2: {  	[hbm4b:s5+s3] =	stream.indirect_vreg.scatter [tilespmem:s18], [sflag:$0x1], $0x80, v4, vm0, $0xb8;
	[tilespmem:$0x13800] =	vst v63  }
0xa3: {  	s18 =	simm.s32 $0x11800  }
0xa4: {  	[hbm4b:s6+s3] =	stream.indirect_vreg.scatter [tilespmem:s18], [sflag:$0x1], $0x80, v4, vm0, $0xb8;
	[tilespmem:$0x13800] =	vst v63  }
0xa5: {  	s18 =	simm.s32 $0x12000  }
0xa6: {  	[hbm4b:s2+s3] =	stream.indirect_vreg.scatter [tilespmem:s18], [sflag:$0x1], $0x80, v3, vm0, $0xb8;
	[tilespmem:$0x13800] =	vst v63  }
0xa7: {  	s18 =	simm.s32 $0x12800  }
0xa8: {  	[hbm4b:s5+s3] =	stream.indirect_vreg.scatter [tilespmem:s18], [sflag:$0x1], $0x80, v3, vm0, $0xb8;
	[tilespmem:$0x13800] =	vst v63  }
0xa9: {  	s18 =	simm.s32 $0x13000  }
0xaa: {  	[hbm4b:s6+s3] =	stream.indirect_vreg.scatter [tilespmem:s18], [sflag:$0x1], $0x80, v3, vm0, $0xb8;
	[tilespmem:$0x13800] =	vst v63  }
0xab: {  	v3 =	vld [tilespmem:s19+$0xFFFFFF00];
	_ =	sdelay $0x4  }
0xac: {  	v28 =	vshrl.u32 v3, $0x3  }
0xad: {  	v4 =	vmul.u32 $0x30, v28  }
0xae: {  	v3 =	vand.u32 $0x7, v3  }
0xaf: {  	v3 =	vor.u32 v3, v4  }
0xb0: {  	v4 =	vperm.xlane v3, v0;
	_ =	sdelay $0x1  }
0xb1: {  	v4 =	vadd.s32 v1, v4;
	_ =	sdelay $0x3  }
0xb2: {  	v3 =	vperm.xlane v3, v2  }
0xb3: {  	[hbm4b:s2+s3] =	stream.indirect_vreg.scatter [tilespmem:s0], [sflag:$0x1], $0x80, v4, vm0, $0xb8;
	[tilespmem:$0x13800] =	vst v63  }
0xb4: {  	v3 =	vadd.s32 v1, v3  }
0xb5: {  	[hbm4b:s5+s3] =	stream.indirect_vreg.scatter [tilespmem:s21], [sflag:$0x1], $0x80, v4, vm0, $0xb8;
	[tilespmem:$0x13800] =	vst v63  }
0xb6: {  	_ = 	snop  }
0xb7: {  	[hbm4b:s6+s3] =	stream.indirect_vreg.scatter [tilespmem:s23], [sflag:$0x1], $0x80, v4, vm0, $0xb8;
	[tilespmem:$0x13800] =	vst v63  }
0xb8: {  	_ = 	snop  }
0xb9: {  	[hbm4b:s2+s3] =	stream.indirect_vreg.scatter [tilespmem:s24], [sflag:$0x1], $0x80, v3, vm0, $0xb8;
	[tilespmem:$0x13800] =	vst v63  }
0xba: {  	_ = 	snop  }
0xbb: {  	[hbm4b:s5+s3] =	stream.indirect_vreg.scatter [tilespmem:s25], [sflag:$0x1], $0x80, v3, vm0, $0xb8;
	[tilespmem:$0x13800] =	vst v63  }
0xbc: {  	_ = 	snop  }
0xbd: {  	[hbm4b:s6+s3] =	stream.indirect_vreg.scatter [tilespmem:s26], [sflag:$0x1], $0x80, v3, vm0, $0xb8;
	[tilespmem:$0x13800] =	vst v63  }
0xbe: {  	v3 =	vld [tilespmem:s19+$0xFFFFFF10];
	_ =	sdelay $0x4  }
0xbf: {  	v29 =	vshrl.u32 v3, $0x3  }
0xc0: {  	v4 =	vmul.u32 $0x30, v29  }
0xc1: {  	v3 =	vand.u32 $0x7, v3  }
0xc2: {  	v3 =	vor.u32 v3, v4  }
0xc3: {  	v4 =	vperm.xlane v3, v0;
	_ =	sdelay $0x1  }
0xc4: {  	v4 =	vadd.s32 v1, v4;
	_ =	sdelay $0x3  }
0xc5: {  	v3 =	vperm.xlane v3, v2  }
0xc6: {  	[hbm4b:s2+s3] =	stream.indirect_vreg.scatter [tilespmem:s28], [sflag:$0x1], $0x80, v4, vm0, $0xb8;
	[tilespmem:$0x13800] =	vst v63  }
0xc7: {  	v3 =	vadd.s32 v1, v3  }
0xc8: {  	[hbm4b:s5+s3] =	stream.indirect_vreg.scatter [tilespmem:s29], [sflag:$0x1], $0x80, v4, vm0, $0xb8;
	[tilespmem:$0x13800] =	vst v63  }
0xc9: {  	_ = 	snop  }
0xca: {  	[hbm4b:s6+s3] =	stream.indirect_vreg.scatter [tilespmem:s30], [sflag:$0x1], $0x80, v4, vm0, $0xb8;
	[tilespmem:$0x13800] =	vst v63  }
0xcb: {  	_ = 	snop  }
0xcc: {  	[hbm4b:s2+s3] =	stream.indirect_vreg.scatter [tilespmem:s31], [sflag:$0x1], $0x80, v3, vm0, $0xb8;
	[tilespmem:$0x13800] =	vst v63  }
0xcd: {  	_ = 	snop  }
0xce: {  	[hbm4b:s5+s3] =	stream.indirect_vreg.scatter [tilespmem:s1], [sflag:$0x1], $0x80, v3, vm0, $0xb8;
	[tilespmem:$0x13800] =	vst v63  }
0xcf: {  	_ = 	snop  }
0xd0: {  	[hbm4b:s6+s3] =	stream.indirect_vreg.scatter [tilespmem:s4], [sflag:$0x1], $0x80, v3, vm0, $0xb8;
	[tilespmem:$0x13800] =	vst v63  }
0xd1: {  	v3 =	vld [tilespmem:s19+$0xFFFFFF20];
	_ =	sdelay $0x4  }
0xd2: {  	v30 =	vshrl.u32 v3, $0x3  }
0xd3: {  	v4 =	vmul.u32 $0x30, v30  }
0xd4: {  	v3 =	vand.u32 $0x7, v3  }
0xd5: {  	v3 =	vor.u32 v3, v4  }
0xd6: {  	v4 =	vperm.xlane v3, v0;
	_ =	sdelay $0x1  }
0xd7: {  	v4 =	vadd.s32 v1, v4;
	_ =	sdelay $0x3  }
0xd8: {  	v3 =	vperm.xlane v3, v2  }
0xd9: {  	[hbm4b:s2+s3] =	stream.indirect_vreg.scatter [tilespmem:s7], [sflag:$0x1], $0x80, v4, vm0, $0xb8;
	[tilespmem:$0x13800] =	vst v63  }
0xda: {  	v3 =	vadd.s32 v1, v3  }
0xdb: {  	[hbm4b:s5+s3] =	stream.indirect_vreg.scatter [tilespmem:s8], [sflag:$0x1], $0x80, v4, vm0, $0xb8;
	[tilespmem:$0x13800] =	vst v63  }
0xdc: {  	_ = 	snop  }
0xdd: {  	[hbm4b:s6+s3] =	stream.indirect_vreg.scatter [tilespmem:s9], [sflag:$0x1], $0x80, v4, vm0, $0xb8;
	[tilespmem:$0x13800] =	vst v63  }
0xde: {  	_ = 	snop  }
0xdf: {  	[hbm4b:s2+s3] =	stream.indirect_vreg.scatter [tilespmem:s10], [sflag:$0x1], $0x80, v3, vm0, $0xb8;
	[tilespmem:$0x13800] =	vst v63  }
0xe0: {  	_ = 	snop  }
0xe1: {  	[hbm4b:s5+s3] =	stream.indirect_vreg.scatter [tilespmem:s11], [sflag:$0x1], $0x80, v3, vm0, $0xb8;
	[tilespmem:$0x13800] =	vst v63  }
0xe2: {  	_ = 	snop  }
0xe3: {  	[hbm4b:s6+s3] =	stream.indirect_vreg.scatter [tilespmem:s12], [sflag:$0x1], $0x80, v3, vm0, $0xb8;
	[tilespmem:$0x13800] =	vst v63  }
0xe4: {  	v3 =	vld [tilespmem:s19+$0xFFFFFF30];
	_ =	sdelay $0x4  }
0xe5: {  	v31 =	vshrl.u32 v3, $0x3  }
0xe6: {  	v4 =	vmul.u32 $0x30, v31  }
0xe7: {  	v3 =	vand.u32 $0x7, v3  }
0xe8: {  	v3 =	vor.u32 v3, v4  }
0xe9: {  	v4 =	vperm.xlane v3, v0;
	_ =	sdelay $0x1  }
0xea: {  	v4 =	vadd.s32 v1, v4;
	_ =	sdelay $0x3  }
0xeb: {  	v3 =	vperm.xlane v3, v2  }
0xec: {  	[hbm4b:s2+s3] =	stream.indirect_vreg.scatter [tilespmem:s13], [sflag:$0x1], $0x80, v4, vm0, $0xb8;
	[tilespmem:$0x13800] =	vst v63  }
0xed: {  	v3 =	vadd.s32 v1, v3  }
0xee: {  	[hbm4b:s5+s3] =	stream.indirect_vreg.scatter [tilespmem:s14], [sflag:$0x1], $0x80, v4, vm0, $0xb8;
	[tilespmem:$0x13800] =	vst v63  }
0xef: {  	_ = 	snop  }
0xf0: {  	[hbm4b:s6+s3] =	stream.indirect_vreg.scatter [tilespmem:s15], [sflag:$0x1], $0x80, v4, vm0, $0xb8;
	[tilespmem:$0x13800] =	vst v63  }
0xf1: {  	_ = 	snop  }
0xf2: {  	[hbm4b:s2+s3] =	stream.indirect_vreg.scatter [tilespmem:s16], [sflag:$0x1], $0x80, v3, vm0, $0xb8;
	[tilespmem:$0x13800] =	vst v63  }
0xf3: {  	_ = 	snop  }
0xf4: {  	[hbm4b:s5+s3] =	stream.indirect_vreg.scatter [tilespmem:s17], [sflag:$0x1], $0x80, v3, vm0, $0xb8;
	[tilespmem:$0x13800] =	vst v63  }
0xf5: {  	s18 =	simm.s32 $0xD000  }
0xf6: {  	[hbm4b:s6+s3] =	stream.indirect_vreg.scatter [tilespmem:s18], [sflag:$0x1], $0x80, v3, vm0, $0xb8;
	[tilespmem:$0x13800] =	vst v63  }
0xf7: {  	v3 =	vld [tilespmem:s19+$0xFFFFFF40];
	_ =	sdelay $0x4  }
0xf8: {  	v32 =	vshrl.u32 v3, $0x3  }
0xf9: {  	v4 =	vmul.u32 $0x30, v32  }
0xfa: {  	v3 =	vand.u32 $0x7, v3  }
0xfb: {  	v3 =	vor.u32 v3, v4  }
0xfc: {  	v4 =	vperm.xlane v3, v0;
	_ =	sdelay $0x1  }
0xfd: {  	v4 =	vadd.s32 v1, v4;
	_ =	sdelay $0x3  }
0xfe: {  	s18 =	simm.s32 $0xD800;
	v3 =	vperm.xlane v3, v2  }
0xff: {  	[hbm4b:s2+s3] =	stream.indirect_vreg.scatter [tilespmem:s18], [sflag:$0x1], $0x80, v4, vm0, $0xb8;
	[tilespmem:$0x13800] =	vst v63  }
0x100: {  	v3 =	vadd.s32 v1, v3;
	s18 =	simm.s32 $0xE000  }
0x101: {  	[hbm4b:s5+s3] =	stream.indirect_vreg.scatter [tilespmem:s18], [sflag:$0x1], $0x80, v4, vm0, $0xb8;
	[tilespmem:$0x13800] =	vst v63  }
0x102: {  	s18 =	simm.s32 $0xE800  }
0x103: {  	[hbm4b:s6+s3] =	stream.indirect_vreg.scatter [tilespmem:s18], [sflag:$0x1], $0x80, v4, vm0, $0xb8;
	[tilespmem:$0x13800] =	vst v63  }
0x104: {  	s18 =	simm.s32 $0xF000  }
0x105: {  	[hbm4b:s2+s3] =	stream.indirect_vreg.scatter [tilespmem:s18], [sflag:$0x1], $0x80, v3, vm0, $0xb8;
	[tilespmem:$0x13800] =	vst v63  }
0x106: {  	s18 =	simm.s32 $0xF800  }
0x107: {  	[hbm4b:s5+s3] =	stream.indirect_vreg.scatter [tilespmem:s18], [sflag:$0x1], $0x80, v3, vm0, $0xb8;
	[tilespmem:$0x13800] =	vst v63  }
0x108: {  	s18 =	simm.s32 $0x10000  }
0x109: {  	[hbm4b:s6+s3] =	stream.indirect_vreg.scatter [tilespmem:s18], [sflag:$0x1], $0x80, v3, vm0, $0xb8;
	[tilespmem:$0x13800] =	vst v63  }
0x10a: {  	v3 =	vld [tilespmem:s19+$0xFFFFFF50];
	_ =	sdelay $0x4  }
0x10b: {  	v33 =	vshrl.u32 v3, $0x3  }
0x10c: {  	v4 =	vmul.u32 $0x30, v33  }
0x10d: {  	v3 =	vand.u32 $0x7, v3  }
0x10e: {  	v3 =	vor.u32 v3, v4  }
0x10f: {  	v4 =	vperm.xlane v3, v0;
	_ =	sdelay $0x1  }
0x110: {  	v4 =	vadd.s32 v1, v4;
	_ =	sdelay $0x3  }
0x111: {  	s18 =	simm.s32 $0x10800;
	v3 =	vperm.xlane v3, v2  }
0x112: {  	[hbm4b:s2+s3] =	stream.indirect_vreg.scatter [tilespmem:s18], [sflag:$0x1], $0x80, v4, vm0, $0xb8;
	[tilespmem:$0x13800] =	vst v63  }
0x113: {  	v3 =	vadd.s32 v1, v3;
	s18 =	simm.s32 $0x11000  }
0x114: {  	[hbm4b:s5+s3] =	stream.indirect_vreg.scatter [tilespmem:s18], [sflag:$0x1], $0x80, v4, vm0, $0xb8;
	[tilespmem:$0x13800] =	vst v63  }
0x115: {  	s18 =	simm.s32 $0x11800  }
0x116: {  	[hbm4b:s6+s3] =	stream.indirect_vreg.scatter [tilespmem:s18], [sflag:$0x1], $0x80, v4, vm0, $0xb8;
	[tilespmem:$0x13800] =	vst v63  }
0x117: {  	s18 =	simm.s32 $0x12000  }
0x118: {  	[hbm4b:s2+s3] =	stream.indirect_vreg.scatter [tilespmem:s18], [sflag:$0x1], $0x80, v3, vm0, $0xb8;
	[tilespmem:$0x13800] =	vst v63  }
0x119: {  	s18 =	simm.s32 $0x12800  }
0x11a: {  	[hbm4b:s5+s3] =	stream.indirect_vreg.scatter [tilespmem:s18], [sflag:$0x1], $0x80, v3, vm0, $0xb8;
	[tilespmem:$0x13800] =	vst v63  }
0x11b: {  	s18 =	simm.s32 $0x13000  }
0x11c: {  	[hbm4b:s6+s3] =	stream.indirect_vreg.scatter [tilespmem:s18], [sflag:$0x1], $0x80, v3, vm0, $0xb8;
	[tilespmem:$0x13800] =	vst v63  }
0x11d: {  	v3 =	vld [tilespmem:s19+$0xFFFFFF80];
	_ =	sdelay $0x4  }
0x11e: {  	v34 =	vshrl.u32 v3, $0x3  }
0x11f: {  	v4 =	vmul.u32 $0x30, v34  }
0x120: {  	v3 =	vand.u32 $0x7, v3  }
0x121: {  	v3 =	vor.u32 v3, v4  }
0x122: {  	v4 =	vperm.xlane v3, v0;
	_ =	sdelay $0x1  }
0x123: {  	v4 =	vadd.s32 v1, v4;
	_ =	sdelay $0x3  }
0x124: {  	v3 =	vperm.xlane v3, v2  }
0x125: {  	[hbm4b:s2+s3] =	stream.indirect_vreg.scatter [tilespmem:s0], [sflag:$0x1], $0x80, v4, vm0, $0xb8;
	[tilespmem:$0x13800] =	vst v63  }
0x126: {  	v3 =	vadd.s32 v1, v3  }
0x127: {  	[hbm4b:s5+s3] =	stream.indirect_vreg.scatter [tilespmem:s21], [sflag:$0x1], $0x80, v4, vm0, $0xb8;
	[tilespmem:$0x13800] =	vst v63  }
0x128: {  	_ = 	snop  }
0x129: {  	[hbm4b:s6+s3] =	stream.indirect_vreg.scatter [tilespmem:s23], [sflag:$0x1], $0x80, v4, vm0, $0xb8;
	[tilespmem:$0x13800] =	vst v63  }
0x12a: {  	_ = 	snop  }
0x12b: {  	[hbm4b:s2+s3] =	stream.indirect_vreg.scatter [tilespmem:s24], [sflag:$0x1], $0x80, v3, vm0, $0xb8;
	[tilespmem:$0x13800] =	vst v63  }
0x12c: {  	_ = 	snop  }
0x12d: {  	[hbm4b:s5+s3] =	stream.indirect_vreg.scatter [tilespmem:s25], [sflag:$0x1], $0x80, v3, vm0, $0xb8;
	[tilespmem:$0x13800] =	vst v63  }
0x12e: {  	_ = 	snop  }
0x12f: {  	[hbm4b:s6+s3] =	stream.indirect_vreg.scatter [tilespmem:s26], [sflag:$0x1], $0x80, v3, vm0, $0xb8;
	[tilespmem:$0x13800] =	vst v63  }
0x130: {  	v3 =	vld [tilespmem:s19+$0xFFFFFF90];
	_ =	sdelay $0x4  }
0x131: {  	v35 =	vshrl.u32 v3, $0x3  }
0x132: {  	v4 =	vmul.u32 $0x30, v35  }
0x133: {  	v3 =	vand.u32 $0x7, v3  }
0x134: {  	v3 =	vor.u32 v3, v4  }
0x135: {  	v4 =	vperm.xlane v3, v0;
	_ =	sdelay $0x1  }
0x136: {  	v4 =	vadd.s32 v1, v4;
	_ =	sdelay $0x3  }
0x137: {  	v3 =	vperm.xlane v3, v2  }
0x138: {  	[hbm4b:s2+s3] =	stream.indirect_vreg.scatter [tilespmem:s28], [sflag:$0x1], $0x80, v4, vm0, $0xb8;
	[tilespmem:$0x13800] =	vst v63  }
0x139: {  	v3 =	vadd.s32 v1, v3  }
0x13a: {  	[hbm4b:s5+s3] =	stream.indirect_vreg.scatter [tilespmem:s29], [sflag:$0x1], $0x80, v4, vm0, $0xb8;
	[tilespmem:$0x13800] =	vst v63  }
0x13b: {  	_ = 	snop  }
0x13c: {  	[hbm4b:s6+s3] =	stream.indirect_vreg.scatter [tilespmem:s30], [sflag:$0x1], $0x80, v4, vm0, $0xb8;
	[tilespmem:$0x13800] =	vst v63  }
0x13d: {  	_ = 	snop  }
0x13e: {  	[hbm4b:s2+s3] =	stream.indirect_vreg.scatter [tilespmem:s31], [sflag:$0x1], $0x80, v3, vm0, $0xb8;
	[tilespmem:$0x13800] =	vst v63  }
0x13f: {  	_ = 	snop  }
0x140: {  	[hbm4b:s5+s3] =	stream.indirect_vreg.scatter [tilespmem:s1], [sflag:$0x1], $0x80, v3, vm0, $0xb8;
	[tilespmem:$0x13800] =	vst v63  }
0x141: {  	_ = 	snop  }
0x142: {  	[hbm4b:s6+s3] =	stream.indirect_vreg.scatter [tilespmem:s4], [sflag:$0x1], $0x80, v3, vm0, $0xb8;
	[tilespmem:$0x13800] =	vst v63  }
0x143: {  	v3 =	vld [tilespmem:s19+$0xFFFFFFA0];
	_ =	sdelay $0x4  }
0x144: {  	v36 =	vshrl.u32 v3, $0x3  }
0x145: {  	v4 =	vmul.u32 $0x30, v36  }
0x146: {  	v3 =	vand.u32 $0x7, v3  }
0x147: {  	v3 =	vor.u32 v3, v4  }
0x148: {  	v4 =	vperm.xlane v3, v0;
	_ =	sdelay $0x1  }
0x149: {  	v4 =	vadd.s32 v1, v4;
	_ =	sdelay $0x3  }
0x14a: {  	v3 =	vperm.xlane v3, v2  }
0x14b: {  	[hbm4b:s2+s3] =	stream.indirect_vreg.scatter [tilespmem:s7], [sflag:$0x1], $0x80, v4, vm0, $0xb8;
	[tilespmem:$0x13800] =	vst v63  }
0x14c: {  	v3 =	vadd.s32 v1, v3  }
0x14d: {  	[hbm4b:s5+s3] =	stream.indirect_vreg.scatter [tilespmem:s8], [sflag:$0x1], $0x80, v4, vm0, $0xb8;
	[tilespmem:$0x13800] =	vst v63  }
0x14e: {  	_ = 	snop  }
0x14f: {  	[hbm4b:s6+s3] =	stream.indirect_vreg.scatter [tilespmem:s9], [sflag:$0x1], $0x80, v4, vm0, $0xb8;
	[tilespmem:$0x13800] =	vst v63  }
0x150: {  	_ = 	snop  }
0x151: {  	[hbm4b:s2+s3] =	stream.indirect_vreg.scatter [tilespmem:s10], [sflag:$0x1], $0x80, v3, vm0, $0xb8;
	[tilespmem:$0x13800] =	vst v63  }
0x152: {  	_ = 	snop  }
0x153: {  	[hbm4b:s5+s3] =	stream.indirect_vreg.scatter [tilespmem:s11], [sflag:$0x1], $0x80, v3, vm0, $0xb8;
	[tilespmem:$0x13800] =	vst v63  }
0x154: {  	_ = 	snop  }
0x155: {  	[hbm4b:s6+s3] =	stream.indirect_vreg.scatter [tilespmem:s12], [sflag:$0x1], $0x80, v3, vm0, $0xb8;
	[tilespmem:$0x13800] =	vst v63  }
0x156: {  	v3 =	vld [tilespmem:s19+$0xFFFFFFB0];
	_ =	sdelay $0x4  }
0x157: {  	v37 =	vshrl.u32 v3, $0x3  }
0x158: {  	v4 =	vmul.u32 $0x30, v37  }
0x159: {  	v3 =	vand.u32 $0x7, v3  }
0x15a: {  	v3 =	vor.u32 v3, v4  }
0x15b: {  	v4 =	vperm.xlane v3, v0;
	_ =	sdelay $0x1  }
0x15c: {  	v4 =	vadd.s32 v1, v4;
	_ =	sdelay $0x3  }
0x15d: {  	v3 =	vperm.xlane v3, v2  }
0x15e: {  	[hbm4b:s2+s3] =	stream.indirect_vreg.scatter [tilespmem:s13], [sflag:$0x1], $0x80, v4, vm0, $0xb8;
	[tilespmem:$0x13800] =	vst v63  }
0x15f: {  	v3 =	vadd.s32 v1, v3  }
0x160: {  	[hbm4b:s5+s3] =	stream.indirect_vreg.scatter [tilespmem:s14], [sflag:$0x1], $0x80, v4, vm0, $0xb8;
	[tilespmem:$0x13800] =	vst v63  }
0x161: {  	_ = 	snop  }
0x162: {  	[hbm4b:s6+s3] =	stream.indirect_vreg.scatter [tilespmem:s15], [sflag:$0x1], $0x80, v4, vm0, $0xb8;
	[tilespmem:$0x13800] =	vst v63  }
0x163: {  	_ = 	snop  }
0x164: {  	[hbm4b:s2+s3] =	stream.indirect_vreg.scatter [tilespmem:s16], [sflag:$0x1], $0x80, v3, vm0, $0xb8;
	[tilespmem:$0x13800] =	vst v63  }
0x165: {  	_ = 	snop  }
0x166: {  	[hbm4b:s5+s3] =	stream.indirect_vreg.scatter [tilespmem:s17], [sflag:$0x1], $0x80, v3, vm0, $0xb8;
	[tilespmem:$0x13800] =	vst v63  }
0x167: {  	s18 =	simm.s32 $0xD000  }
0x168: {  	[hbm4b:s6+s3] =	stream.indirect_vreg.scatter [tilespmem:s18], [sflag:$0x1], $0x80, v3, vm0, $0xb8;
	[tilespmem:$0x13800] =	vst v63  }
0x169: {  	v3 =	vld [tilespmem:s19+$0xFFFFFFC0];
	_ =	sdelay $0x4  }
0x16a: {  	v38 =	vshrl.u32 v3, $0x3  }
0x16b: {  	v4 =	vmul.u32 $0x30, v38  }
0x16c: {  	v3 =	vand.u32 $0x7, v3  }
0x16d: {  	v3 =	vor.u32 v3, v4  }
0x16e: {  	v4 =	vperm.xlane v3, v0;
	_ =	sdelay $0x1  }
0x16f: {  	v4 =	vadd.s32 v1, v4;
	_ =	sdelay $0x3  }
0x170: {  	s18 =	simm.s32 $0xD800;
	v3 =	vperm.xlane v3, v2  }
0x171: {  	[hbm4b:s2+s3] =	stream.indirect_vreg.scatter [tilespmem:s18], [sflag:$0x1], $0x80, v4, vm0, $0xb8;
	[tilespmem:$0x13800] =	vst v63  }
0x172: {  	v3 =	vadd.s32 v1, v3;
	s18 =	simm.s32 $0xE000  }
0x173: {  	[hbm4b:s5+s3] =	stream.indirect_vreg.scatter [tilespmem:s18], [sflag:$0x1], $0x80, v4, vm0, $0xb8;
	[tilespmem:$0x13800] =	vst v63  }
0x174: {  	s18 =	simm.s32 $0xE800  }
0x175: {  	[hbm4b:s6+s3] =	stream.indirect_vreg.scatter [tilespmem:s18], [sflag:$0x1], $0x80, v4, vm0, $0xb8;
	[tilespmem:$0x13800] =	vst v63  }
0x176: {  	s18 =	simm.s32 $0xF000  }
0x177: {  	[hbm4b:s2+s3] =	stream.indirect_vreg.scatter [tilespmem:s18], [sflag:$0x1], $0x80, v3, vm0, $0xb8;
	[tilespmem:$0x13800] =	vst v63  }
0x178: {  	s18 =	simm.s32 $0xF800  }
0x179: {  	[hbm4b:s5+s3] =	stream.indirect_vreg.scatter [tilespmem:s18], [sflag:$0x1], $0x80, v3, vm0, $0xb8;
	[tilespmem:$0x13800] =	vst v63  }
0x17a: {  	s18 =	simm.s32 $0x10000  }
0x17b: {  	[hbm4b:s6+s3] =	stream.indirect_vreg.scatter [tilespmem:s18], [sflag:$0x1], $0x80, v3, vm0, $0xb8;
	[tilespmem:$0x13800] =	vst v63  }
0x17c: {  	v3 =	vld [tilespmem:s19+$0xFFFFFFD0];
	_ =	sdelay $0x4  }
0x17d: {  	v39 =	vshrl.u32 v3, $0x3  }
0x17e: {  	v4 =	vmul.u32 $0x30, v39  }
0x17f: {  	v3 =	vand.u32 $0x7, v3  }
0x180: {  	v3 =	vor.u32 v3, v4  }
0x181: {  	v4 =	vperm.xlane v3, v0;
	_ =	sdelay $0x1  }
0x182: {  	v4 =	vadd.s32 v1, v4;
	_ =	sdelay $0x3  }
0x183: {  	s18 =	simm.s32 $0x10800;
	v3 =	vperm.xlane v3, v2  }
0x184: {  	[hbm4b:s2+s3] =	stream.indirect_vreg.scatter [tilespmem:s18], [sflag:$0x1], $0x80, v4, vm0, $0xb8;
	[tilespmem:$0x13800] =	vst v63  }
0x185: {  	v3 =	vadd.s32 v1, v3;
	s18 =	simm.s32 $0x11000  }
0x186: {  	[hbm4b:s5+s3] =	stream.indirect_vreg.scatter [tilespmem:s18], [sflag:$0x1], $0x80, v4, vm0, $0xb8;
	[tilespmem:$0x13800] =	vst v63  }
0x187: {  	s18 =	simm.s32 $0x11800  }
0x188: {  	[hbm4b:s6+s3] =	stream.indirect_vreg.scatter [tilespmem:s18], [sflag:$0x1], $0x80, v4, vm0, $0xb8;
	[tilespmem:$0x13800] =	vst v63  }
0x189: {  	s18 =	simm.s32 $0x12000  }
0x18a: {  	[hbm4b:s2+s3] =	stream.indirect_vreg.scatter [tilespmem:s18], [sflag:$0x1], $0x80, v3, vm0, $0xb8;
	[tilespmem:$0x13800] =	vst v63  }
0x18b: {  	s18 =	simm.s32 $0x12800  }
0x18c: {  	[hbm4b:s5+s3] =	stream.indirect_vreg.scatter [tilespmem:s18], [sflag:$0x1], $0x80, v3, vm0, $0xb8;
	[tilespmem:$0x13800] =	vst v63  }
0x18d: {  	s18 =	simm.s32 $0x13000  }
0x18e: {  	[hbm4b:s6+s3] =	stream.indirect_vreg.scatter [tilespmem:s18], [sflag:$0x1], $0x80, v3, vm0, $0xb8;
	[tilespmem:$0x13800] =	vst v63  }
0x18f: {  	v3 =	vld [tilespmem:s19+$0x0];
	_ =	sdelay $0x4  }
0x190: {  	v40 =	vshrl.u32 v3, $0x3  }
0x191: {  	v4 =	vmul.u32 $0x30, v40  }
0x192: {  	v3 =	vand.u32 $0x7, v3  }
0x193: {  	v3 =	vor.u32 v3, v4  }
0x194: {  	v4 =	vperm.xlane v3, v0;
	_ =	sdelay $0x1  }
0x195: {  	v4 =	vadd.s32 v1, v4;
	_ =	sdelay $0x3  }
0x196: {  	v3 =	vperm.xlane v3, v2  }
0x197: {  	[hbm4b:s2+s3] =	stream.indirect_vreg.scatter [tilespmem:s0], [sflag:$0x1], $0x80, v4, vm0, $0xb8;
	[tilespmem:$0x13800] =	vst v63  }
0x198: {  	v3 =	vadd.s32 v1, v3  }
0x199: {  	[hbm4b:s5+s3] =	stream.indirect_vreg.scatter [tilespmem:s21], [sflag:$0x1], $0x80, v4, vm0, $0xb8;
	[tilespmem:$0x13800] =	vst v63  }
0x19a: {  	_ = 	snop  }
0x19b: {  	[hbm4b:s6+s3] =	stream.indirect_vreg.scatter [tilespmem:s23], [sflag:$0x1], $0x80, v4, vm0, $0xb8;
	[tilespmem:$0x13800] =	vst v63  }
0x19c: {  	_ = 	snop  }
0x19d: {  	[hbm4b:s2+s3] =	stream.indirect_vreg.scatter [tilespmem:s24], [sflag:$0x1], $0x80, v3, vm0, $0xb8;
	[tilespmem:$0x13800] =	vst v63  }
0x19e: {  	_ = 	snop  }
0x19f: {  	[hbm4b:s5+s3] =	stream.indirect_vreg.scatter [tilespmem:s25], [sflag:$0x1], $0x80, v3, vm0, $0xb8;
	[tilespmem:$0x13800] =	vst v63  }
0x1a0: {  	_ = 	snop  }
0x1a1: {  	[hbm4b:s6+s3] =	stream.indirect_vreg.scatter [tilespmem:s26], [sflag:$0x1], $0x80, v3, vm0, $0xb8;
	[tilespmem:$0x13800] =	vst v63  }
0x1a2: {  	v3 =	vld [tilespmem:s19+$0x10];
	_ =	sdelay $0x4  }
0x1a3: {  	v41 =	vshrl.u32 v3, $0x3  }
0x1a4: {  	v4 =	vmul.u32 $0x30, v41  }
0x1a5: {  	v3 =	vand.u32 $0x7, v3  }
0x1a6: {  	v3 =	vor.u32 v3, v4  }
0x1a7: {  	v4 =	vperm.xlane v3, v0;
	_ =	sdelay $0x1  }
0x1a8: {  	v4 =	vadd.s32 v1, v4;
	_ =	sdelay $0x3  }
0x1a9: {  	v3 =	vperm.xlane v3, v2  }
0x1aa: {  	[hbm4b:s2+s3] =	stream.indirect_vreg.scatter [tilespmem:s28], [sflag:$0x1], $0x80, v4, vm0, $0xb8;
	[tilespmem:$0x13800] =	vst v63  }
0x1ab: {  	v3 =	vadd.s32 v1, v3  }
0x1ac: {  	[hbm4b:s5+s3] =	stream.indirect_vreg.scatter [tilespmem:s29], [sflag:$0x1], $0x80, v4, vm0, $0xb8;
	[tilespmem:$0x13800] =	vst v63  }
0x1ad: {  	_ = 	snop  }
0x1ae: {  	[hbm4b:s6+s3] =	stream.indirect_vreg.scatter [tilespmem:s30], [sflag:$0x1], $0x80, v4, vm0, $0xb8;
	[tilespmem:$0x13800] =	vst v63  }
0x1af: {  	_ = 	snop  }
0x1b0: {  	[hbm4b:s2+s3] =	stream.indirect_vreg.scatter [tilespmem:s31], [sflag:$0x1], $0x80, v3, vm0, $0xb8;
	[tilespmem:$0x13800] =	vst v63  }
0x1b1: {  	_ = 	snop  }
0x1b2: {  	[hbm4b:s5+s3] =	stream.indirect_vreg.scatter [tilespmem:s1], [sflag:$0x1], $0x80, v3, vm0, $0xb8;
	[tilespmem:$0x13800] =	vst v63  }
0x1b3: {  	_ = 	snop  }
0x1b4: {  	[hbm4b:s6+s3] =	stream.indirect_vreg.scatter [tilespmem:s4], [sflag:$0x1], $0x80, v3, vm0, $0xb8;
	[tilespmem:$0x13800] =	vst v63  }
0x1b5: {  	v3 =	vld [tilespmem:s19+$0x20];
	_ =	sdelay $0x4  }
0x1b6: {  	v42 =	vshrl.u32 v3, $0x3  }
0x1b7: {  	v4 =	vmul.u32 $0x30, v42  }
0x1b8: {  	v3 =	vand.u32 $0x7, v3  }
0x1b9: {  	v3 =	vor.u32 v3, v4  }
0x1ba: {  	v4 =	vperm.xlane v3, v0;
	_ =	sdelay $0x1  }
0x1bb: {  	v4 =	vadd.s32 v1, v4;
	_ =	sdelay $0x3  }
0x1bc: {  	v3 =	vperm.xlane v3, v2  }
0x1bd: {  	[hbm4b:s2+s3] =	stream.indirect_vreg.scatter [tilespmem:s7], [sflag:$0x1], $0x80, v4, vm0, $0xb8;
	[tilespmem:$0x13800] =	vst v63  }
0x1be: {  	v3 =	vadd.s32 v1, v3  }
0x1bf: {  	[hbm4b:s5+s3] =	stream.indirect_vreg.scatter [tilespmem:s8], [sflag:$0x1], $0x80, v4, vm0, $0xb8;
	[tilespmem:$0x13800] =	vst v63  }
0x1c0: {  	_ = 	snop  }
0x1c1: {  	[hbm4b:s6+s3] =	stream.indirect_vreg.scatter [tilespmem:s9], [sflag:$0x1], $0x80, v4, vm0, $0xb8;
	[tilespmem:$0x13800] =	vst v63  }
0x1c2: {  	_ = 	snop  }
0x1c3: {  	[hbm4b:s2+s3] =	stream.indirect_vreg.scatter [tilespmem:s10], [sflag:$0x1], $0x80, v3, vm0, $0xb8;
	[tilespmem:$0x13800] =	vst v63  }
0x1c4: {  	_ = 	snop  }
0x1c5: {  	[hbm4b:s5+s3] =	stream.indirect_vreg.scatter [tilespmem:s11], [sflag:$0x1], $0x80, v3, vm0, $0xb8;
	[tilespmem:$0x13800] =	vst v63  }
0x1c6: {  	_ = 	snop  }
0x1c7: {  	[hbm4b:s6+s3] =	stream.indirect_vreg.scatter [tilespmem:s12], [sflag:$0x1], $0x80, v3, vm0, $0xb8;
	[tilespmem:$0x13800] =	vst v63  }
0x1c8: {  	v3 =	vld [tilespmem:s19+$0x30];
	_ =	sdelay $0x4  }
0x1c9: {  	v43 =	vshrl.u32 v3, $0x3  }
0x1ca: {  	v4 =	vmul.u32 $0x30, v43  }
0x1cb: {  	v3 =	vand.u32 $0x7, v3  }
0x1cc: {  	v3 =	vor.u32 v3, v4  }
0x1cd: {  	v4 =	vperm.xlane v3, v0;
	_ =	sdelay $0x1  }
0x1ce: {  	v4 =	vadd.s32 v1, v4;
	_ =	sdelay $0x3  }
0x1cf: {  	v3 =	vperm.xlane v3, v2  }
0x1d0: {  	[hbm4b:s2+s3] =	stream.indirect_vreg.scatter [tilespmem:s13], [sflag:$0x1], $0x80, v4, vm0, $0xb8;
	[tilespmem:$0x13800] =	vst v63  }
0x1d1: {  	v3 =	vadd.s32 v1, v3  }
0x1d2: {  	[hbm4b:s5+s3] =	stream.indirect_vreg.scatter [tilespmem:s14], [sflag:$0x1], $0x80, v4, vm0, $0xb8;
	[tilespmem:$0x13800] =	vst v63  }
0x1d3: {  	_ = 	snop  }
0x1d4: {  	[hbm4b:s6+s3] =	stream.indirect_vreg.scatter [tilespmem:s15], [sflag:$0x1], $0x80, v4, vm0, $0xb8;
	[tilespmem:$0x13800] =	vst v63  }
0x1d5: {  	_ = 	snop  }
0x1d6: {  	[hbm4b:s2+s3] =	stream.indirect_vreg.scatter [tilespmem:s16], [sflag:$0x1], $0x80, v3, vm0, $0xb8;
	[tilespmem:$0x13800] =	vst v63  }
0x1d7: {  	_ = 	snop  }
0x1d8: {  	[hbm4b:s5+s3] =	stream.indirect_vreg.scatter [tilespmem:s17], [sflag:$0x1], $0x80, v3, vm0, $0xb8;
	[tilespmem:$0x13800] =	vst v63  }
0x1d9: {  	s18 =	simm.s32 $0xD000  }
0x1da: {  	[hbm4b:s6+s3] =	stream.indirect_vreg.scatter [tilespmem:s18], [sflag:$0x1], $0x80, v3, vm0, $0xb8;
	[tilespmem:$0x13800] =	vst v63  }
0x1db: {  	v3 =	vld [tilespmem:s19+$0x40];
	_ =	sdelay $0x4  }
0x1dc: {  	v44 =	vshrl.u32 v3, $0x3  }
0x1dd: {  	v4 =	vmul.u32 $0x30, v44  }
0x1de: {  	v3 =	vand.u32 $0x7, v3  }
0x1df: {  	v3 =	vor.u32 v3, v4  }
0x1e0: {  	v4 =	vperm.xlane v3, v0;
	_ =	sdelay $0x1  }
0x1e1: {  	v4 =	vadd.s32 v1, v4;
	_ =	sdelay $0x3  }
0x1e2: {  	s18 =	simm.s32 $0xD800;
	v3 =	vperm.xlane v3, v2  }
0x1e3: {  	[hbm4b:s2+s3] =	stream.indirect_vreg.scatter [tilespmem:s18], [sflag:$0x1], $0x80, v4, vm0, $0xb8;
	[tilespmem:$0x13800] =	vst v63  }
0x1e4: {  	v3 =	vadd.s32 v1, v3;
	s18 =	simm.s32 $0xE000  }
0x1e5: {  	[hbm4b:s5+s3] =	stream.indirect_vreg.scatter [tilespmem:s18], [sflag:$0x1], $0x80, v4, vm0, $0xb8;
	[tilespmem:$0x13800] =	vst v63  }
0x1e6: {  	s18 =	simm.s32 $0xE800  }
0x1e7: {  	[hbm4b:s6+s3] =	stream.indirect_vreg.scatter [tilespmem:s18], [sflag:$0x1], $0x80, v4, vm0, $0xb8;
	[tilespmem:$0x13800] =	vst v63  }
0x1e8: {  	s18 =	simm.s32 $0xF000  }
0x1e9: {  	[hbm4b:s2+s3] =	stream.indirect_vreg.scatter [tilespmem:s18], [sflag:$0x1], $0x80, v3, vm0, $0xb8;
	[tilespmem:$0x13800] =	vst v63  }
0x1ea: {  	s18 =	simm.s32 $0xF800  }
0x1eb: {  	[hbm4b:s5+s3] =	stream.indirect_vreg.scatter [tilespmem:s18], [sflag:$0x1], $0x80, v3, vm0, $0xb8;
	[tilespmem:$0x13800] =	vst v63  }
0x1ec: {  	s18 =	simm.s32 $0x10000  }
0x1ed: {  	[hbm4b:s6+s3] =	stream.indirect_vreg.scatter [tilespmem:s18], [sflag:$0x1], $0x80, v3, vm0, $0xb8;
	[tilespmem:$0x13800] =	vst v63  }
0x1ee: {  	v3 =	vld [tilespmem:s19+$0x50];
	_ =	sdelay $0x4  }
0x1ef: {  	v45 =	vshrl.u32 v3, $0x3  }
0x1f0: {  	v4 =	vmul.u32 $0x30, v45  }
0x1f1: {  	v3 =	vand.u32 $0x7, v3  }
0x1f2: {  	v3 =	vor.u32 v3, v4  }
0x1f3: {  	v4 =	vperm.xlane v3, v0;
	_ =	sdelay $0x1  }
0x1f4: {  	v4 =	vadd.s32 v1, v4;
	_ =	sdelay $0x3  }
0x1f5: {  	s18 =	simm.s32 $0x10800;
	v3 =	vperm.xlane v3, v2  }
0x1f6: {  	[hbm4b:s2+s3] =	stream.indirect_vreg.scatter [tilespmem:s18], [sflag:$0x1], $0x80, v4, vm0, $0xb8;
	[tilespmem:$0x13800] =	vst v63  }
0x1f7: {  	v3 =	vadd.s32 v1, v3;
	s18 =	simm.s32 $0x11000  }
0x1f8: {  	[hbm4b:s5+s3] =	stream.indirect_vreg.scatter [tilespmem:s18], [sflag:$0x1], $0x80, v4, vm0, $0xb8;
	[tilespmem:$0x13800] =	vst v63  }
0x1f9: {  	s18 =	simm.s32 $0x11800  }
0x1fa: {  	[hbm4b:s6+s3] =	stream.indirect_vreg.scatter [tilespmem:s18], [sflag:$0x1], $0x80, v4, vm0, $0xb8;
	[tilespmem:$0x13800] =	vst v63  }
0x1fb: {  	s18 =	simm.s32 $0x12000  }
0x1fc: {  	[hbm4b:s2+s3] =	stream.indirect_vreg.scatter [tilespmem:s18], [sflag:$0x1], $0x80, v3, vm0, $0xb8;
	[tilespmem:$0x13800] =	vst v63  }
0x1fd: {  	s18 =	simm.s32 $0x12800  }
0x1fe: {  	[hbm4b:s5+s3] =	stream.indirect_vreg.scatter [tilespmem:s18], [sflag:$0x1], $0x80, v3, vm0, $0xb8;
	[tilespmem:$0x13800] =	vst v63  }
0x1ff: {  	s18 =	simm.s32 $0x13000  }
0x200: {  	[hbm4b:s6+s3] =	stream.indirect_vreg.scatter [tilespmem:s18], [sflag:$0x1], $0x80, v3, vm0, $0xb8;
	[tilespmem:$0x13800] =	vst v63  }
0x201: {  	v3 =	vld [tilespmem:s19+$0x80];
	_ =	sdelay $0x4  }
0x202: {  	v46 =	vshrl.u32 v3, $0x3  }
0x203: {  	v4 =	vmul.u32 $0x30, v46  }
0x204: {  	v3 =	vand.u32 $0x7, v3  }
0x205: {  	v3 =	vor.u32 v3, v4  }
0x206: {  	v4 =	vperm.xlane v3, v0;
	_ =	sdelay $0x1  }
0x207: {  	v4 =	vadd.s32 v1, v4;
	_ =	sdelay $0x3  }
0x208: {  	v3 =	vperm.xlane v3, v2  }
0x209: {  	[hbm4b:s2+s3] =	stream.indirect_vreg.scatter [tilespmem:s0], [sflag:$0x1], $0x80, v4, vm0, $0xb8;
	[tilespmem:$0x13800] =	vst v63  }
0x20a: {  	v3 =	vadd.s32 v1, v3  }
0x20b: {  	[hbm4b:s5+s3] =	stream.indirect_vreg.scatter [tilespmem:s21], [sflag:$0x1], $0x80, v4, vm0, $0xb8;
	[tilespmem:$0x13800] =	vst v63  }
0x20c: {  	_ = 	snop  }
0x20d: {  	[hbm4b:s6+s3] =	stream.indirect_vreg.scatter [tilespmem:s23], [sflag:$0x1], $0x80, v4, vm0, $0xb8;
	[tilespmem:$0x13800] =	vst v63  }
0x20e: {  	_ = 	snop  }
0x20f: {  	[hbm4b:s2+s3] =	stream.indirect_vreg.scatter [tilespmem:s24], [sflag:$0x1], $0x80, v3, vm0, $0xb8;
	[tilespmem:$0x13800] =	vst v63  }
0x210: {  	_ = 	snop  }
0x211: {  	[hbm4b:s5+s3] =	stream.indirect_vreg.scatter [tilespmem:s25], [sflag:$0x1], $0x80, v3, vm0, $0xb8;
	[tilespmem:$0x13800] =	vst v63  }
0x212: {  	_ = 	snop  }
0x213: {  	[hbm4b:s6+s3] =	stream.indirect_vreg.scatter [tilespmem:s26], [sflag:$0x1], $0x80, v3, vm0, $0xb8;
	[tilespmem:$0x13800] =	vst v63  }
0x214: {  	v3 =	vld [tilespmem:s19+$0x90];
	_ =	sdelay $0x4  }
0x215: {  	v47 =	vshrl.u32 v3, $0x3  }
0x216: {  	v4 =	vmul.u32 $0x30, v47  }
0x217: {  	v3 =	vand.u32 $0x7, v3  }
0x218: {  	v3 =	vor.u32 v3, v4  }
0x219: {  	v4 =	vperm.xlane v3, v0;
	_ =	sdelay $0x1  }
0x21a: {  	v4 =	vadd.s32 v1, v4;
	_ =	sdelay $0x3  }
0x21b: {  	v3 =	vperm.xlane v3, v2  }
0x21c: {  	[hbm4b:s2+s3] =	stream.indirect_vreg.scatter [tilespmem:s28], [sflag:$0x1], $0x80, v4, vm0, $0xb8;
	[tilespmem:$0x13800] =	vst v63  }
0x21d: {  	v3 =	vadd.s32 v1, v3  }
0x21e: {  	[hbm4b:s5+s3] =	stream.indirect_vreg.scatter [tilespmem:s29], [sflag:$0x1], $0x80, v4, vm0, $0xb8;
	[tilespmem:$0x13800] =	vst v63  }
0x21f: {  	_ = 	snop  }
0x220: {  	[hbm4b:s6+s3] =	stream.indirect_vreg.scatter [tilespmem:s30], [sflag:$0x1], $0x80, v4, vm0, $0xb8;
	[tilespmem:$0x13800] =	vst v63  }
0x221: {  	_ = 	snop  }
0x222: {  	[hbm4b:s2+s3] =	stream.indirect_vreg.scatter [tilespmem:s31], [sflag:$0x1], $0x80, v3, vm0, $0xb8;
	[tilespmem:$0x13800] =	vst v63  }
0x223: {  	_ = 	snop  }
0x224: {  	[hbm4b:s5+s3] =	stream.indirect_vreg.scatter [tilespmem:s1], [sflag:$0x1], $0x80, v3, vm0, $0xb8;
	[tilespmem:$0x13800] =	vst v63  }
0x225: {  	_ = 	snop  }
0x226: {  	[hbm4b:s6+s3] =	stream.indirect_vreg.scatter [tilespmem:s4], [sflag:$0x1], $0x80, v3, vm0, $0xb8;
	[tilespmem:$0x13800] =	vst v63  }
0x227: {  	v3 =	vld [tilespmem:s19+$0xA0];
	_ =	sdelay $0x4  }
0x228: {  	v48 =	vshrl.u32 v3, $0x3  }
0x229: {  	v4 =	vmul.u32 $0x30, v48  }
0x22a: {  	v3 =	vand.u32 $0x7, v3  }
0x22b: {  	v3 =	vor.u32 v3, v4  }
0x22c: {  	v4 =	vperm.xlane v3, v0;
	_ =	sdelay $0x1  }
0x22d: {  	v4 =	vadd.s32 v1, v4;
	_ =	sdelay $0x3  }
0x22e: {  	v3 =	vperm.xlane v3, v2  }
0x22f: {  	[hbm4b:s2+s3] =	stream.indirect_vreg.scatter [tilespmem:s7], [sflag:$0x1], $0x80, v4, vm0, $0xb8;
	[tilespmem:$0x13800] =	vst v63  }
0x230: {  	v3 =	vadd.s32 v1, v3  }
0x231: {  	[hbm4b:s5+s3] =	stream.indirect_vreg.scatter [tilespmem:s8], [sflag:$0x1], $0x80, v4, vm0, $0xb8;
	[tilespmem:$0x13800] =	vst v63  }
0x232: {  	_ = 	snop  }
0x233: {  	[hbm4b:s6+s3] =	stream.indirect_vreg.scatter [tilespmem:s9], [sflag:$0x1], $0x80, v4, vm0, $0xb8;
	[tilespmem:$0x13800] =	vst v63  }
0x234: {  	_ = 	snop  }
0x235: {  	[hbm4b:s2+s3] =	stream.indirect_vreg.scatter [tilespmem:s10], [sflag:$0x1], $0x80, v3, vm0, $0xb8;
	[tilespmem:$0x13800] =	vst v63  }
0x236: {  	_ = 	snop  }
0x237: {  	[hbm4b:s5+s3] =	stream.indirect_vreg.scatter [tilespmem:s11], [sflag:$0x1], $0x80, v3, vm0, $0xb8;
	[tilespmem:$0x13800] =	vst v63  }
0x238: {  	_ = 	snop  }
0x239: {  	[hbm4b:s6+s3] =	stream.indirect_vreg.scatter [tilespmem:s12], [sflag:$0x1], $0x80, v3, vm0, $0xb8;
	[tilespmem:$0x13800] =	vst v63  }
0x23a: {  	v3 =	vld [tilespmem:s19+$0xB0];
	_ =	sdelay $0x4  }
0x23b: {  	v49 =	vshrl.u32 v3, $0x3  }
0x23c: {  	v4 =	vmul.u32 $0x30, v49  }
0x23d: {  	v3 =	vand.u32 $0x7, v3  }
0x23e: {  	v3 =	vor.u32 v3, v4  }
0x23f: {  	v4 =	vperm.xlane v3, v0;
	_ =	sdelay $0x1  }
0x240: {  	v4 =	vadd.s32 v1, v4;
	_ =	sdelay $0x3  }
0x241: {  	v3 =	vperm.xlane v3, v2  }
0x242: {  	[hbm4b:s2+s3] =	stream.indirect_vreg.scatter [tilespmem:s13], [sflag:$0x1], $0x80, v4, vm0, $0xb8;
	[tilespmem:$0x13800] =	vst v63  }
0x243: {  	v3 =	vadd.s32 v1, v3  }
0x244: {  	[hbm4b:s5+s3] =	stream.indirect_vreg.scatter [tilespmem:s14], [sflag:$0x1], $0x80, v4, vm0, $0xb8;
	[tilespmem:$0x13800] =	vst v63  }
0x245: {  	_ = 	snop  }
0x246: {  	[hbm4b:s6+s3] =	stream.indirect_vreg.scatter [tilespmem:s15], [sflag:$0x1], $0x80, v4, vm0, $0xb8;
	[tilespmem:$0x13800] =	vst v63  }
0x247: {  	_ = 	snop  }
0x248: {  	[hbm4b:s2+s3] =	stream.indirect_vreg.scatter [tilespmem:s16], [sflag:$0x1], $0x80, v3, vm0, $0xb8;
	[tilespmem:$0x13800] =	vst v63  }
0x249: {  	_ = 	snop  }
0x24a: {  	[hbm4b:s5+s3] =	stream.indirect_vreg.scatter [tilespmem:s17], [sflag:$0x1], $0x80, v3, vm0, $0xb8;
	[tilespmem:$0x13800] =	vst v63  }
0x24b: {  	s18 =	simm.s32 $0xD000  }
0x24c: {  	[hbm4b:s6+s3] =	stream.indirect_vreg.scatter [tilespmem:s18], [sflag:$0x1], $0x80, v3, vm0, $0xb8;
	[tilespmem:$0x13800] =	vst v63  }
0x24d: {  	v3 =	vld [tilespmem:s19+$0xC0];
	_ =	sdelay $0x4  }
0x24e: {  	v50 =	vshrl.u32 v3, $0x3  }
0x24f: {  	v4 =	vmul.u32 $0x30, v50  }
0x250: {  	v3 =	vand.u32 $0x7, v3  }
0x251: {  	v3 =	vor.u32 v3, v4  }
0x252: {  	v4 =	vperm.xlane v3, v0;
	_ =	sdelay $0x1  }
0x253: {  	v4 =	vadd.s32 v1, v4;
	_ =	sdelay $0x3  }
0x254: {  	s18 =	simm.s32 $0xD800;
	v3 =	vperm.xlane v3, v2  }
0x255: {  	[hbm4b:s2+s3] =	stream.indirect_vreg.scatter [tilespmem:s18], [sflag:$0x1], $0x80, v4, vm0, $0xb8;
	[tilespmem:$0x13800] =	vst v63  }
0x256: {  	v3 =	vadd.s32 v1, v3;
	s18 =	simm.s32 $0xE000  }
0x257: {  	[hbm4b:s5+s3] =	stream.indirect_vreg.scatter [tilespmem:s18], [sflag:$0x1], $0x80, v4, vm0, $0xb8;
	[tilespmem:$0x13800] =	vst v63  }
0x258: {  	s18 =	simm.s32 $0xE800  }
0x259: {  	[hbm4b:s6+s3] =	stream.indirect_vreg.scatter [tilespmem:s18], [sflag:$0x1], $0x80, v4, vm0, $0xb8;
	[tilespmem:$0x13800] =	vst v63  }
0x25a: {  	s18 =	simm.s32 $0xF000  }
0x25b: {  	[hbm4b:s2+s3] =	stream.indirect_vreg.scatter [tilespmem:s18], [sflag:$0x1], $0x80, v3, vm0, $0xb8;
	[tilespmem:$0x13800] =	vst v63  }
0x25c: {  	s18 =	simm.s32 $0xF800  }
0x25d: {  	[hbm4b:s5+s3] =	stream.indirect_vreg.scatter [tilespmem:s18], [sflag:$0x1], $0x80, v3, vm0, $0xb8;
	[tilespmem:$0x13800] =	vst v63  }
0x25e: {  	s18 =	simm.s32 $0x10000  }
0x25f: {  	[hbm4b:s6+s3] =	stream.indirect_vreg.scatter [tilespmem:s18], [sflag:$0x1], $0x80, v3, vm0, $0xb8;
	[tilespmem:$0x13800] =	vst v63  }
0x260: {  	v3 =	vld [tilespmem:s19+$0xD0];
	_ =	sdelay $0x4  }
0x261: {  	v51 =	vshrl.u32 v3, $0x3  }
0x262: {  	v4 =	vmul.u32 $0x30, v51  }
0x263: {  	v3 =	vand.u32 $0x7, v3  }
0x264: {  	v3 =	vor.u32 v3, v4  }
0x265: {  	v4 =	vperm.xlane v3, v0;
	_ =	sdelay $0x1  }
0x266: {  	v4 =	vadd.s32 v1, v4;
	_ =	sdelay $0x3  }
0x267: {  	s18 =	simm.s32 $0x10800;
	v3 =	vperm.xlane v3, v2  }
0x268: {  	[hbm4b:s2+s3] =	stream.indirect_vreg.scatter [tilespmem:s18], [sflag:$0x1], $0x80, v4, vm0, $0xb8;
	[tilespmem:$0x13800] =	vst v63  }
0x269: {  	v3 =	vadd.s32 v1, v3;
	s18 =	simm.s32 $0x11000  }
0x26a: {  	[hbm4b:s5+s3] =	stream.indirect_vreg.scatter [tilespmem:s18], [sflag:$0x1], $0x80, v4, vm0, $0xb8;
	[tilespmem:$0x13800] =	vst v63  }
0x26b: {  	s18 =	simm.s32 $0x11800  }
0x26c: {  	[hbm4b:s6+s3] =	stream.indirect_vreg.scatter [tilespmem:s18], [sflag:$0x1], $0x80, v4, vm0, $0xb8;
	[tilespmem:$0x13800] =	vst v63  }
0x26d: {  	s18 =	simm.s32 $0x12000  }
0x26e: {  	[hbm4b:s2+s3] =	stream.indirect_vreg.scatter [tilespmem:s18], [sflag:$0x1], $0x80, v3, vm0, $0xb8;
	[tilespmem:$0x13800] =	vst v63  }
0x26f: {  	s18 =	simm.s32 $0x12800  }
0x270: {  	[hbm4b:s5+s3] =	stream.indirect_vreg.scatter [tilespmem:s18], [sflag:$0x1], $0x80, v3, vm0, $0xb8;
	[tilespmem:$0x13800] =	vst v63  }
0x271: {  	s18 =	simm.s32 $0x13000  }
0x272: {  	[hbm4b:s6+s3] =	stream.indirect_vreg.scatter [tilespmem:s18], [sflag:$0x1], $0x80, v3, vm0, $0xb8;
	[tilespmem:$0x13800] =	vst v63  }
0x273: {  	v3 =	vld [tilespmem:s19+$0x100];
	_ =	sdelay $0x4  }
0x274: {  	v52 =	vshrl.u32 v3, $0x3  }
0x275: {  	v4 =	vmul.u32 $0x30, v52  }
0x276: {  	v3 =	vand.u32 $0x7, v3  }
0x277: {  	v3 =	vor.u32 v3, v4  }
0x278: {  	v4 =	vperm.xlane v3, v0;
	_ =	sdelay $0x1  }
0x279: {  	v4 =	vadd.s32 v1, v4;
	_ =	sdelay $0x3  }
0x27a: {  	v3 =	vperm.xlane v3, v2  }
0x27b: {  	[hbm4b:s2+s3] =	stream.indirect_vreg.scatter [tilespmem:s0], [sflag:$0x1], $0x80, v4, vm0, $0xb8;
	[tilespmem:$0x13800] =	vst v63  }
0x27c: {  	v3 =	vadd.s32 v1, v3  }
0x27d: {  	[hbm4b:s5+s3] =	stream.indirect_vreg.scatter [tilespmem:s21], [sflag:$0x1], $0x80, v4, vm0, $0xb8;
	[tilespmem:$0x13800] =	vst v63  }
0x27e: {  	_ = 	snop  }
0x27f: {  	[hbm4b:s6+s3] =	stream.indirect_vreg.scatter [tilespmem:s23], [sflag:$0x1], $0x80, v4, vm0, $0xb8;
	[tilespmem:$0x13800] =	vst v63  }
0x280: {  	_ = 	snop  }
0x281: {  	[hbm4b:s2+s3] =	stream.indirect_vreg.scatter [tilespmem:s24], [sflag:$0x1], $0x80, v3, vm0, $0xb8;
	[tilespmem:$0x13800] =	vst v63  }
0x282: {  	_ = 	snop  }
0x283: {  	[hbm4b:s5+s3] =	stream.indirect_vreg.scatter [tilespmem:s25], [sflag:$0x1], $0x80, v3, vm0, $0xb8;
	[tilespmem:$0x13800] =	vst v63  }
0x284: {  	_ = 	snop  }
0x285: {  	[hbm4b:s6+s3] =	stream.indirect_vreg.scatter [tilespmem:s26], [sflag:$0x1], $0x80, v3, vm0, $0xb8;
	[tilespmem:$0x13800] =	vst v63  }
0x286: {  	v3 =	vld [tilespmem:s19+$0x110];
	_ =	sdelay $0x4  }
0x287: {  	v53 =	vshrl.u32 v3, $0x3  }
0x288: {  	v4 =	vmul.u32 $0x30, v53  }
0x289: {  	v3 =	vand.u32 $0x7, v3  }
0x28a: {  	v3 =	vor.u32 v3, v4  }
0x28b: {  	v4 =	vperm.xlane v3, v0;
	_ =	sdelay $0x1  }
0x28c: {  	v4 =	vadd.s32 v1, v4;
	_ =	sdelay $0x3  }
0x28d: {  	v3 =	vperm.xlane v3, v2  }
0x28e: {  	[hbm4b:s2+s3] =	stream.indirect_vreg.scatter [tilespmem:s28], [sflag:$0x1], $0x80, v4, vm0, $0xb8;
	[tilespmem:$0x13800] =	vst v63  }
0x28f: {  	v3 =	vadd.s32 v1, v3  }
0x290: {  	[hbm4b:s5+s3] =	stream.indirect_vreg.scatter [tilespmem:s29], [sflag:$0x1], $0x80, v4, vm0, $0xb8;
	[tilespmem:$0x13800] =	vst v63  }
0x291: {  	_ = 	snop  }
0x292: {  	[hbm4b:s6+s3] =	stream.indirect_vreg.scatter [tilespmem:s30], [sflag:$0x1], $0x80, v4, vm0, $0xb8;
	[tilespmem:$0x13800] =	vst v63  }
0x293: {  	_ = 	snop  }
0x294: {  	[hbm4b:s2+s3] =	stream.indirect_vreg.scatter [tilespmem:s31], [sflag:$0x1], $0x80, v3, vm0, $0xb8;
	[tilespmem:$0x13800] =	vst v63  }
0x295: {  	_ = 	snop  }
0x296: {  	[hbm4b:s5+s3] =	stream.indirect_vreg.scatter [tilespmem:s1], [sflag:$0x1], $0x80, v3, vm0, $0xb8;
	[tilespmem:$0x13800] =	vst v63  }
0x297: {  	_ = 	snop  }
0x298: {  	[hbm4b:s6+s3] =	stream.indirect_vreg.scatter [tilespmem:s4], [sflag:$0x1], $0x80, v3, vm0, $0xb8;
	[tilespmem:$0x13800] =	vst v63  }
0x299: {  	v3 =	vld [tilespmem:s19+$0x120];
	_ =	sdelay $0x4  }
0x29a: {  	v54 =	vshrl.u32 v3, $0x3  }
0x29b: {  	v4 =	vmul.u32 $0x30, v54  }
0x29c: {  	v3 =	vand.u32 $0x7, v3  }
0x29d: {  	v3 =	vor.u32 v3, v4  }
0x29e: {  	v4 =	vperm.xlane v3, v0;
	_ =	sdelay $0x1  }
0x29f: {  	v4 =	vadd.s32 v1, v4;
	_ =	sdelay $0x3  }
0x2a0: {  	v3 =	vperm.xlane v3, v2  }
0x2a1: {  	[hbm4b:s2+s3] =	stream.indirect_vreg.scatter [tilespmem:s7], [sflag:$0x1], $0x80, v4, vm0, $0xb8;
	[tilespmem:$0x13800] =	vst v63  }
0x2a2: {  	v3 =	vadd.s32 v1, v3  }
0x2a3: {  	[hbm4b:s5+s3] =	stream.indirect_vreg.scatter [tilespmem:s8], [sflag:$0x1], $0x80, v4, vm0, $0xb8;
	[tilespmem:$0x13800] =	vst v63  }
0x2a4: {  	_ = 	snop  }
0x2a5: {  	[hbm4b:s6+s3] =	stream.indirect_vreg.scatter [tilespmem:s9], [sflag:$0x1], $0x80, v4, vm0, $0xb8;
	[tilespmem:$0x13800] =	vst v63  }
0x2a6: {  	_ = 	snop  }
0x2a7: {  	[hbm4b:s2+s3] =	stream.indirect_vreg.scatter [tilespmem:s10], [sflag:$0x1], $0x80, v3, vm0, $0xb8;
	[tilespmem:$0x13800] =	vst v63  }
0x2a8: {  	_ = 	snop  }
0x2a9: {  	[hbm4b:s5+s3] =	stream.indirect_vreg.scatter [tilespmem:s11], [sflag:$0x1], $0x80, v3, vm0, $0xb8;
	[tilespmem:$0x13800] =	vst v63  }
0x2aa: {  	_ = 	snop  }
0x2ab: {  	[hbm4b:s6+s3] =	stream.indirect_vreg.scatter [tilespmem:s12], [sflag:$0x1], $0x80, v3, vm0, $0xb8;
	[tilespmem:$0x13800] =	vst v63  }
0x2ac: {  	v3 =	vld [tilespmem:s19+$0x130];
	_ =	sdelay $0x4  }
0x2ad: {  	v55 =	vshrl.u32 v3, $0x3  }
0x2ae: {  	v4 =	vmul.u32 $0x30, v55  }
0x2af: {  	v3 =	vand.u32 $0x7, v3  }
0x2b0: {  	v3 =	vor.u32 v3, v4  }
0x2b1: {  	v4 =	vperm.xlane v3, v0;
	_ =	sdelay $0x1  }
0x2b2: {  	v4 =	vadd.s32 v1, v4;
	_ =	sdelay $0x3  }
0x2b3: {  	v3 =	vperm.xlane v3, v2  }
0x2b4: {  	[hbm4b:s2+s3] =	stream.indirect_vreg.scatter [tilespmem:s13], [sflag:$0x1], $0x80, v4, vm0, $0xb8;
	[tilespmem:$0x13800] =	vst v63  }
0x2b5: {  	v3 =	vadd.s32 v1, v3  }
0x2b6: {  	[hbm4b:s5+s3] =	stream.indirect_vreg.scatter [tilespmem:s14], [sflag:$0x1], $0x80, v4, vm0, $0xb8;
	[tilespmem:$0x13800] =	vst v63  }
0x2b7: {  	_ = 	snop  }
0x2b8: {  	[hbm4b:s6+s3] =	stream.indirect_vreg.scatter [tilespmem:s15], [sflag:$0x1], $0x80, v4, vm0, $0xb8;
	[tilespmem:$0x13800] =	vst v63  }
0x2b9: {  	_ = 	snop  }
0x2ba: {  	[hbm4b:s2+s3] =	stream.indirect_vreg.scatter [tilespmem:s16], [sflag:$0x1], $0x80, v3, vm0, $0xb8;
	[tilespmem:$0x13800] =	vst v63  }
0x2bb: {  	_ = 	snop  }
0x2bc: {  	[hbm4b:s5+s3] =	stream.indirect_vreg.scatter [tilespmem:s17], [sflag:$0x1], $0x80, v3, vm0, $0xb8;
	[tilespmem:$0x13800] =	vst v63  }
0x2bd: {  	s18 =	simm.s32 $0xD000  }
0x2be: {  	[hbm4b:s6+s3] =	stream.indirect_vreg.scatter [tilespmem:s18], [sflag:$0x1], $0x80, v3, vm0, $0xb8;
	[tilespmem:$0x13800] =	vst v63  }
0x2bf: {  	v3 =	vld [tilespmem:s19+$0x140];
	_ =	sdelay $0x4  }
0x2c0: {  	v56 =	vshrl.u32 v3, $0x3  }
0x2c1: {  	v4 =	vmul.u32 $0x30, v56  }
0x2c2: {  	v3 =	vand.u32 $0x7, v3  }
0x2c3: {  	v3 =	vor.u32 v3, v4  }
0x2c4: {  	v4 =	vperm.xlane v3, v0;
	_ =	sdelay $0x1  }
0x2c5: {  	v4 =	vadd.s32 v1, v4;
	_ =	sdelay $0x3  }
0x2c6: {  	s18 =	simm.s32 $0xD800;
	v3 =	vperm.xlane v3, v2  }
0x2c7: {  	[hbm4b:s2+s3] =	stream.indirect_vreg.scatter [tilespmem:s18], [sflag:$0x1], $0x80, v4, vm0, $0xb8;
	[tilespmem:$0x13800] =	vst v63  }
0x2c8: {  	v3 =	vadd.s32 v1, v3;
	s18 =	simm.s32 $0xE000  }
0x2c9: {  	[hbm4b:s5+s3] =	stream.indirect_vreg.scatter [tilespmem:s18], [sflag:$0x1], $0x80, v4, vm0, $0xb8;
	[tilespmem:$0x13800] =	vst v63  }
0x2ca: {  	s18 =	simm.s32 $0xE800  }
0x2cb: {  	[hbm4b:s6+s3] =	stream.indirect_vreg.scatter [tilespmem:s18], [sflag:$0x1], $0x80, v4, vm0, $0xb8;
	[tilespmem:$0x13800] =	vst v63  }
0x2cc: {  	s18 =	simm.s32 $0xF000  }
0x2cd: {  	[hbm4b:s2+s3] =	stream.indirect_vreg.scatter [tilespmem:s18], [sflag:$0x1], $0x80, v3, vm0, $0xb8;
	[tilespmem:$0x13800] =	vst v63  }
0x2ce: {  	s18 =	simm.s32 $0xF800  }
0x2cf: {  	[hbm4b:s5+s3] =	stream.indirect_vreg.scatter [tilespmem:s18], [sflag:$0x1], $0x80, v3, vm0, $0xb8;
	[tilespmem:$0x13800] =	vst v63  }
0x2d0: {  	s18 =	simm.s32 $0x10000  }
0x2d1: {  	[hbm4b:s6+s3] =	stream.indirect_vreg.scatter [tilespmem:s18], [sflag:$0x1], $0x80, v3, vm0, $0xb8;
	[tilespmem:$0x13800] =	vst v63  }
0x2d2: {  	v3 =	vld [tilespmem:s19+$0x150];
	_ =	sdelay $0x4  }
0x2d3: {  	v57 =	vshrl.u32 v3, $0x3  }
0x2d4: {  	v4 =	vmul.u32 $0x30, v57  }
0x2d5: {  	v3 =	vand.u32 $0x7, v3  }
0x2d6: {  	v3 =	vor.u32 v3, v4  }
0x2d7: {  	v4 =	vperm.xlane v3, v0;
	_ =	sdelay $0x1  }
0x2d8: {  	v4 =	vadd.s32 v1, v4;
	_ =	sdelay $0x3  }
0x2d9: {  	s18 =	simm.s32 $0x10800;
	v3 =	vperm.xlane v3, v2  }
0x2da: {  	[hbm4b:s2+s3] =	stream.indirect_vreg.scatter [tilespmem:s18], [sflag:$0x1], $0x80, v4, vm0, $0xb8;
	[tilespmem:$0x13800] =	vst v63  }
0x2db: {  	v3 =	vadd.s32 v1, v3;
	s18 =	simm.s32 $0x11000  }
0x2dc: {  	[hbm4b:s5+s3] =	stream.indirect_vreg.scatter [tilespmem:s18], [sflag:$0x1], $0x80, v4, vm0, $0xb8;
	[tilespmem:$0x13800] =	vst v63  }
0x2dd: {  	s18 =	simm.s32 $0x11800  }
0x2de: {  	[hbm4b:s6+s3] =	stream.indirect_vreg.scatter [tilespmem:s18], [sflag:$0x1], $0x80, v4, vm0, $0xb8;
	[tilespmem:$0x13800] =	vst v63  }
0x2df: {  	s18 =	simm.s32 $0x12000  }
0x2e0: {  	[hbm4b:s2+s3] =	stream.indirect_vreg.scatter [tilespmem:s18], [sflag:$0x1], $0x80, v3, vm0, $0xb8;
	[tilespmem:$0x13800] =	vst v63  }
0x2e1: {  	s18 =	simm.s32 $0x12800  }
0x2e2: {  	[hbm4b:s5+s3] =	stream.indirect_vreg.scatter [tilespmem:s18], [sflag:$0x1], $0x80, v3, vm0, $0xb8;
	[tilespmem:$0x13800] =	vst v63  }
0x2e3: {  	s18 =	simm.s32 $0x13000  }
0x2e4: {  	[hbm4b:s6+s3] =	stream.indirect_vreg.scatter [tilespmem:s18], [sflag:$0x1], $0x80, v3, vm0, $0xb8;
	[tilespmem:$0x13800] =	vst v63  }
0x2e5: {  	v3 =	vld [tilespmem:s19+$0x180];
	_ =	sdelay $0x4  }
0x2e6: {  	v58 =	vshrl.u32 v3, $0x3  }
0x2e7: {  	v4 =	vmul.u32 $0x30, v58  }
0x2e8: {  	v3 =	vand.u32 $0x7, v3  }
0x2e9: {  	v3 =	vor.u32 v3, v4  }
0x2ea: {  	v4 =	vperm.xlane v3, v0;
	_ =	sdelay $0x1  }
0x2eb: {  	v4 =	vadd.s32 v1, v4;
	_ =	sdelay $0x3  }
0x2ec: {  	s1 =	simm.s32 $0x1800;
	v3 =	vperm.xlane v3, v2  }
0x2ed: {  	[hbm4b:s2+s3] =	stream.indirect_vreg.scatter [tilespmem:s1], [sflag:$0x1], $0x80, v4, vm0, $0xb8;
	[tilespmem:$0x13800] =	vst v63  }
0x2ee: {  	v3 =	vadd.s32 v1, v3  }
0x2ef: {  	[hbm4b:s5+s3] =	stream.indirect_vreg.scatter [tilespmem:s21], [sflag:$0x1], $0x80, v4, vm0, $0xb8;
	[tilespmem:$0x13800] =	vst v63  }
0x2f0: {  	s0 =	simm.s32 $0x2800  }
0x2f1: {  	[hbm4b:s6+s3] =	stream.indirect_vreg.scatter [tilespmem:s0], [sflag:$0x1], $0x80, v4, vm0, $0xb8;
	[tilespmem:$0x13800] =	vst v63  }
0x2f2: {  	s1 =	simm.s32 $0x3000  }
0x2f3: {  	[hbm4b:s2+s3] =	stream.indirect_vreg.scatter [tilespmem:s1], [sflag:$0x1], $0x80, v3, vm0, $0xb8;
	[tilespmem:$0x13800] =	vst v63  }
0x2f4: {  	s18 =	simm.s32 $0x3800  }
0x2f5: {  	[hbm4b:s5+s3] =	stream.indirect_vreg.scatter [tilespmem:s18], [sflag:$0x1], $0x80, v3, vm0, $0xb8;
	[tilespmem:$0x13800] =	vst v63  }
0x2f6: {  	s0 =	simm.s32 $0x4000  }
0x2f7: {  	[hbm4b:s6+s3] =	stream.indirect_vreg.scatter [tilespmem:s0], [sflag:$0x1], $0x80, v3, vm0, $0xb8;
	[tilespmem:$0x13800] =	vst v63  }
0x2f8: {  	v3 =	vld [tilespmem:s19+$0x190];
	_ =	sdelay $0x4  }
0x2f9: {  	v59 =	vshrl.u32 v3, $0x3  }
0x2fa: {  	v4 =	vmul.u32 $0x30, v59  }
0x2fb: {  	v3 =	vand.u32 $0x7, v3  }
0x2fc: {  	v3 =	vor.u32 v3, v4  }
0x2fd: {  	v4 =	vperm.xlane v3, v0;
	_ =	sdelay $0x1  }
0x2fe: {  	v4 =	vadd.s32 v1, v4;
	_ =	sdelay $0x3  }
0x2ff: {  	s1 =	simm.s32 $0x4800;
	v3 =	vperm.xlane v3, v2  }
0x300: {  	[hbm4b:s2+s3] =	stream.indirect_vreg.scatter [tilespmem:s1], [sflag:$0x1], $0x80, v4, vm0, $0xb8;
	[tilespmem:$0x13800] =	vst v63  }
0x301: {  	s18 =	simm.s32 $0x5000;
	v3 =	vadd.s32 v1, v3  }
0x302: {  	[hbm4b:s5+s3] =	stream.indirect_vreg.scatter [tilespmem:s18], [sflag:$0x1], $0x80, v4, vm0, $0xb8;
	[tilespmem:$0x13800] =	vst v63  }
0x303: {  	s0 =	simm.s32 $0x5800  }
0x304: {  	[hbm4b:s6+s3] =	stream.indirect_vreg.scatter [tilespmem:s0], [sflag:$0x1], $0x80, v4, vm0, $0xb8;
	[tilespmem:$0x13800] =	vst v63  }
0x305: {  	s1 =	simm.s32 $0x6000  }
0x306: {  	[hbm4b:s2+s3] =	stream.indirect_vreg.scatter [tilespmem:s1], [sflag:$0x1], $0x80, v3, vm0, $0xb8;
	[tilespmem:$0x13800] =	vst v63  }
0x307: {  	s18 =	simm.s32 $0x6800  }
0x308: {  	[hbm4b:s5+s3] =	stream.indirect_vreg.scatter [tilespmem:s18], [sflag:$0x1], $0x80, v3, vm0, $0xb8;
	[tilespmem:$0x13800] =	vst v63  }
0x309: {  	s21 =	simm.s32 $0x7000  }
0x30a: {  	[hbm4b:s6+s3] =	stream.indirect_vreg.scatter [tilespmem:s21], [sflag:$0x1], $0x80, v3, vm0, $0xb8;
	[tilespmem:$0x13800] =	vst v63  }
0x30b: {  	v3 =	vld [tilespmem:s19+$0x1A0];
	_ =	sdelay $0x4  }
0x30c: {  	v60 =	vshrl.u32 v3, $0x3  }
0x30d: {  	v4 =	vmul.u32 $0x30, v60  }
0x30e: {  	v3 =	vand.u32 $0x7, v3  }
0x30f: {  	v3 =	vor.u32 v3, v4  }
0x310: {  	v4 =	vperm.xlane v3, v0;
	_ =	sdelay $0x1  }
0x311: {  	v4 =	vadd.s32 v1, v4;
	_ =	sdelay $0x3  }
0x312: {  	s1 =	simm.s32 $0x7800;
	v3 =	vperm.xlane v3, v2  }
0x313: {  	[hbm4b:s2+s3] =	stream.indirect_vreg.scatter [tilespmem:s1], [sflag:$0x1], $0x80, v4, vm0, $0xb8;
	[tilespmem:$0x13800] =	vst v63  }
0x314: {  	s18 =	simm.s32 $0x8000;
	v3 =	vadd.s32 v1, v3  }
0x315: {  	[hbm4b:s5+s3] =	stream.indirect_vreg.scatter [tilespmem:s18], [sflag:$0x1], $0x80, v4, vm0, $0xb8;
	[tilespmem:$0x13800] =	vst v63  }
0x316: {  	s21 =	simm.s32 $0x8800  }
0x317: {  	[hbm4b:s6+s3] =	stream.indirect_vreg.scatter [tilespmem:s21], [sflag:$0x1], $0x80, v4, vm0, $0xb8;
	[tilespmem:$0x13800] =	vst v63  }
0x318: {  	s1 =	simm.s32 $0x9000  }
0x319: {  	[hbm4b:s2+s3] =	stream.indirect_vreg.scatter [tilespmem:s1], [sflag:$0x1], $0x80, v3, vm0, $0xb8;
	[tilespmem:$0x13800] =	vst v63  }
0x31a: {  	s18 =	simm.s32 $0x9800  }
0x31b: {  	[hbm4b:s5+s3] =	stream.indirect_vreg.scatter [tilespmem:s18], [sflag:$0x1], $0x80, v3, vm0, $0xb8;
	[tilespmem:$0x13800] =	vst v63  }
0x31c: {  	s21 =	simm.s32 $0xA000  }
0x31d: {  	[hbm4b:s6+s3] =	stream.indirect_vreg.scatter [tilespmem:s21], [sflag:$0x1], $0x80, v3, vm0, $0xb8;
	[tilespmem:$0x13800] =	vst v63  }
0x31e: {  	v3 =	vld [tilespmem:s19+$0x1B0];
	_ =	sdelay $0x4  }
0x31f: {  	v61 =	vshrl.u32 v3, $0x3  }
0x320: {  	v4 =	vmul.u32 $0x30, v61  }
0x321: {  	v3 =	vand.u32 $0x7, v3  }
0x322: {  	v3 =	vor.u32 v3, v4  }
0x323: {  	v4 =	vperm.xlane v3, v0;
	_ =	sdelay $0x1  }
0x324: {  	v4 =	vadd.s32 v1, v4;
	_ =	sdelay $0x3  }
0x325: {  	s1 =	simm.s32 $0xA800;
	v3 =	vperm.xlane v3, v2  }
0x326: {  	[hbm4b:s2+s3] =	stream.indirect_vreg.scatter [tilespmem:s1], [sflag:$0x1], $0x80, v4, vm0, $0xb8;
	[tilespmem:$0x13800] =	vst v63  }
0x327: {  	s18 =	simm.s32 $0xB000;
	v3 =	vadd.s32 v1, v3  }
0x328: {  	[hbm4b:s5+s3] =	stream.indirect_vreg.scatter [tilespmem:s18], [sflag:$0x1], $0x80, v4, vm0, $0xb8;
	[tilespmem:$0x13800] =	vst v63  }
0x329: {  	s21 =	simm.s32 $0xB800  }
0x32a: {  	[hbm4b:s6+s3] =	stream.indirect_vreg.scatter [tilespmem:s21], [sflag:$0x1], $0x80, v4, vm0, $0xb8;
	[tilespmem:$0x13800] =	vst v63  }
0x32b: {  	s1 =	simm.s32 $0xC000  }
0x32c: {  	[hbm4b:s2+s3] =	stream.indirect_vreg.scatter [tilespmem:s1], [sflag:$0x1], $0x80, v3, vm0, $0xb8;
	[tilespmem:$0x13800] =	vst v63  }
0x32d: {  	s18 =	simm.s32 $0xC800  }
0x32e: {  	[hbm4b:s5+s3] =	stream.indirect_vreg.scatter [tilespmem:s18], [sflag:$0x1], $0x80, v3, vm0, $0xb8;
	[tilespmem:$0x13800] =	vst v63  }
0x32f: {  	s21 =	simm.s32 $0xD000  }
0x330: {  	[hbm4b:s6+s3] =	stream.indirect_vreg.scatter [tilespmem:s21], [sflag:$0x1], $0x80, v3, vm0, $0xb8;
	[tilespmem:$0x13800] =	vst v63  }
0x331: {  	v3 =	vld [tilespmem:s19+$0x1C0];
	_ =	sdelay $0x4  }
0x332: {  	v62 =	vshrl.u32 v3, $0x3  }
0x333: {  	v4 =	vmul.u32 $0x30, v62  }
0x334: {  	v3 =	vand.u32 $0x7, v3  }
0x335: {  	v3 =	vor.u32 v3, v4  }
0x336: {  	v4 =	vperm.xlane v3, v0;
	_ =	sdelay $0x1  }
0x337: {  	v4 =	vadd.s32 v1, v4;
	_ =	sdelay $0x3  }
0x338: {  	s1 =	simm.s32 $0xD800;
	v3 =	vperm.xlane v3, v2  }
0x339: {  	[hbm4b:s2+s3] =	stream.indirect_vreg.scatter [tilespmem:s1], [sflag:$0x1], $0x80, v4, vm0, $0xb8;
	[tilespmem:$0x13800] =	vst v63  }
0x33a: {  	s18 =	simm.s32 $0xE000;
	v3 =	vadd.s32 v1, v3  }
0x33b: {  	[hbm4b:s5+s3] =	stream.indirect_vreg.scatter [tilespmem:s18], [sflag:$0x1], $0x80, v4, vm0, $0xb8;
	[tilespmem:$0x13800] =	vst v63  }
0x33c: {  	s21 =	simm.s32 $0xE800  }
0x33d: {  	[hbm4b:s6+s3] =	stream.indirect_vreg.scatter [tilespmem:s21], [sflag:$0x1], $0x80, v4, vm0, $0xb8;
	[tilespmem:$0x13800] =	vst v63  }
0x33e: {  	s1 =	simm.s32 $0xF000  }
0x33f: {  	[hbm4b:s2+s3] =	stream.indirect_vreg.scatter [tilespmem:s1], [sflag:$0x1], $0x80, v3, vm0, $0xb8;
	[tilespmem:$0x13800] =	vst v63  }
0x340: {  	s18 =	simm.s32 $0xF800  }
0x341: {  	[hbm4b:s5+s3] =	stream.indirect_vreg.scatter [tilespmem:s18], [sflag:$0x1], $0x80, v3, vm0, $0xb8;
	[tilespmem:$0x13800] =	vst v63  }
0x342: {  	s21 =	simm.s32 $0x10000  }
0x343: {  	[hbm4b:s6+s3] =	stream.indirect_vreg.scatter [tilespmem:s21], [sflag:$0x1], $0x80, v3, vm0, $0xb8;
	[tilespmem:$0x13800] =	vst v63  }
0x344: {  	v3 =	vld [tilespmem:s19+$0x1D0];
	_ =	sdelay $0x4  }
0x345: {  	v63 =	vshrl.u32 v3, $0x3  }
0x346: {  	v4 =	vmul.u32 $0x30, v63  }
0x347: {  	v3 =	vand.u32 $0x7, v3  }
0x348: {  	v3 =	vor.u32 v3, v4  }
0x349: {  	v4 =	vperm.xlane v3, v0;
	_ =	sdelay $0x1  }
0x34a: {  	v4 =	vadd.s32 v1, v4;
	_ =	sdelay $0x3  }
0x34b: {  	s1 =	simm.s32 $0x10800;
	v3 =	vperm.xlane v3, v2  }
0x34c: {  	[hbm4b:s2+s3] =	stream.indirect_vreg.scatter [tilespmem:s1], [sflag:$0x1], $0x80, v4, vm0, $0xb8;
	[tilespmem:$0x13800] =	vst v63  }
0x34d: {  	s18 =	simm.s32 $0x11000;
	v3 =	vadd.s32 v1, v3  }
0x34e: {  	[hbm4b:s5+s3] =	stream.indirect_vreg.scatter [tilespmem:s18], [sflag:$0x1], $0x80, v4, vm0, $0xb8;
	[tilespmem:$0x13800] =	vst v63  }
0x34f: {  	s20 =	sadd.s32 $0x2400, s20;
	s21 =	simm.s32 $0x11800  }
0x350: {  	[hbm4b:s6+s3] =	stream.indirect_vreg.scatter [tilespmem:s21], [sflag:$0x1], $0x80, v4, vm0, $0xb8;
	[tilespmem:$0x13800] =	vst v63  }
0x351: {  	p0 =	sne.s32 s20, $0xD800;
	s1 =	simm.s32 $0x12000  }
0x352: {  	[hbm4b:s2+s3] =	stream.indirect_vreg.scatter [tilespmem:s1], [sflag:$0x1], $0x80, v3, vm0, $0xb8;
	[tilespmem:$0x13800] =	vst v63  }
.Ltmp0:
0x353: {  	_ = 	snop;
	(pc) =	sbr.rel @p0 .LBB2_2-.Ltmp0, $4  }
0x354: {  	s18 =	simm.s32 $0x12800  }
0x355: {  	[hbm4b:s5+s3] =	stream.indirect_vreg.scatter [tilespmem:s18], [sflag:$0x1], $0x80, v3, vm0, $0xb8;
	[tilespmem:$0x13800] =	vst v63  }
0x356: {  	s19 =	sadd.s32 $0x400, s19;
	s21 =	simm.s32 $0x13000  }
0x357: {  	[hbm4b:s6+s3] =	stream.indirect_vreg.scatter [tilespmem:s21], [sflag:$0x1], $0x80, v3, vm0, $0xb8;
	[tilespmem:$0x13800] =	vst v63  }
0x358: {  	s0 =	simm.s32 $0x1  }
0x359: {  	_ =	swait.ge [sflag:s0], $0x12000  }
0x35a: {  	[sflag:s0] =	ssyncset.done $0x0  }
0x35b: {  	[sflag:s0] =	ssyncadd.s32 $0xFFFEE000  }
0x35c: {  	_ =	swait.ge [sflag:s0], $0x12000  }
0x35d: {  	[sflag:s0] =	ssyncset.done $0x0  }
0x35e: {  	[sflag:s0] =	ssyncadd.s32 $0xFFFEE000  }
0x35f: {  	_ =	swait.ge [sflag:s0], $0x12000  }
0x360: {  	[sflag:s0] =	ssyncset.done $0x0  }
0x361: {  	[sflag:s0] =	ssyncadd.s32 $0xFFFEE000  }
0x362: {  	_ =	swait.ge [sflag:s0], $0x12000  }
0x363: {  	[sflag:s0] =	ssyncset.done $0x0  }
0x364: {  	[sflag:s0] =	ssyncadd.s32 $0xFFFEE000  }
0x365: {  	_ =	swait.ge [sflag:s0], $0x12000  }
0x366: {  	[sflag:s0] =	ssyncset.done $0x0  }
0x367: {  	[sflag:s0] =	ssyncadd.s32 $0xFFFEE000  }
0x368: {  	_ =	swait.ge [sflag:s0], $0x12000  }
0x369: {  	[sflag:s0] =	ssyncset.done $0x0  }
0x36a: {  	[sflag:s0] =	ssyncadd.s32 $0xFFFEE000  }
0x36b: {  	_ =	swait.ge [sflag:s0], $0x12000  }
0x36c: {  	[sflag:s0] =	ssyncset.done $0x0  }
0x36d: {  	[sflag:s0] =	ssyncadd.s32 $0xFFFEE000  }
0x36e: {  	_ =	swait.ge [sflag:s0], $0x12000  }
0x36f: {  	s1 =	rddreg [dreg:$0x8]  }
0x370: {  	s19 =	rddreg [dreg:$0x7];
	s1 =	sadd.s32 $0x1, s1  }
0x371: {  	p0 =	sne.s32 s1, s19  }
.Ltmp1:
0x372: {  	_ = 	snop;
	(pc) =	sbr.rel @p0 .LBB2_1-.Ltmp1, $3  }
0x373: {  	_ =	sdelay $0x1  }
0x374: {  	[sflag:s0] =	ssyncset.done $0x0  }
0x375: {  	[sflag:s0] =	ssyncadd.s32 $0xFFFEE000  }
0x376: {  	_ =	sfence.sel $0x180000  }
0x377: {  	[bflag:$0x0] =	sbarrier.arrive $0xFFFF  }
0x378: {  	_ =	strace $0x90000047  }
0x379: {  	s0 =	stileid.u32;
	[bflag:$0x2] =	sbarrier.arrive $0xFFFF  }
0x37a: {  	p0 =	sne.s32 s0, $0x0;
	s0 =	rddreg [dreg:$0x3]  }
0x37b: {  	s0 =	sadd.s32 @!p0 $0x100000, s0  }
0x37c: {  	[sflag:s0] =	ssyncadd.tile.s32 @!p0 $0x1;
	_ =	shalt  }
.Lfunc_end2:
_tile_overlayer_lowered:
.L_overlay_start_2:
0x37d: {  	(tag) =	ssettag $0x2  }
0x37e: {  	s0 =	rddreg [dreg:$0x0];
	s2 =	stileid.u32  }
0x37f: {  	s1 =	rddreg [dreg:$0x1];
	p0 =	sne.s32 s2, $0x0  }
0x380: {  	s3 =	rddreg [dreg:$0x2];
	[bflag:$0x3] =	sbarrier.arrive $0xFFFF;
	s2 =	simm.s32 @!p0 $0x1C02  }
0x381: {  	[timem:s3], [sflag:s2] =	dma.local @!p0 [hbm:s0], s1  }
0x382: {  	s0 =	simm.s32 @!p0 $0x2  }
0x383: {  	_ =	swait.ge @!p0 [sflag:s0], s1  }
0x384: {  	s1 =	ssub.s32 @!p0 $0x0, s1;
	[sflag:s0] =	ssyncset.done @!p0 $0x0  }
0x385: {  	[sflag:s0] =	ssyncadd.s32 @!p0 s1  }
0x386: {  	[bflag:$0x3] =	sbarrier.arrive $0xFFFF  }
0x387: {  	_ =	shalt  }

</sc_bundles>
